<compile_context>
chip_gen: v7x
topology: tpu7x:2x2x1
jax: 0.10.2.dev20260603
libtpu: 0.0.44.dev20260713+nightly
codegen_flags: <defaults>
</compile_context>

<pallas_src>
import functools

import jax
import jax.numpy as jnp
from jax import lax
from jax.experimental import pallas as pl
from jax.experimental.pallas import tpu as pltpu
from jax.experimental.pallas import tpu_sc as plsc

_N = 10000
_E = 320000
_D = 128
_DH = _D // 2
_NC = 2
_NS = 16
_NW = _NC * _NS
_EPT_DEG = _E // _NW
_EPT = _E // _NS
_CB = 125
_CPT = _EPT // _CB
_R = 4
_G = 3
_NPAD = 10112
_RPT = _NPAD // _NS

_mesh = plsc.VectorSubcoreMesh(core_axis_name="c", subcore_axis_name="s")
_sc_params = pltpu.CompilerParams(needs_layout_passes=False)
_sc_params_lin = pltpu.CompilerParams(
    needs_layout_passes=False, use_tc_tiling_on_sc=False
)


@functools.partial(
    pl.kernel,
    mesh=_mesh,
    out_type=jax.ShapeDtypeStruct((_NW * _NPAD,), jnp.float32),
    scratch_types=[
        pltpu.VMEM((_EPT_DEG,), jnp.int32),
        pltpu.VMEM((_NPAD,), jnp.float32),
    ],
    compiler_params=_sc_params,
)
def _deg_sc(row_hbm, out_hbm, idx_v, hist):
    c = lax.axis_index("c")
    s = lax.axis_index("s")
    wid = c * _NS + s
    z16 = jnp.zeros((16,), jnp.float32)

    def zero_body(i, _):
        hist[pl.ds(i * 16, 16)] = z16
        return 0

    lax.fori_loop(0, _NPAD // 16, zero_body, 0)

    pltpu.sync_copy(row_hbm.at[pl.ds(wid * _EPT_DEG, _EPT_DEG)], idx_v)
    ones = jnp.ones((16,), jnp.float32)

    def hist_body(i, _):
        idx = idx_v[pl.ds(i * 16, 16)]
        plsc.addupdate_scatter(hist, [idx], ones)
        return 0

    lax.fori_loop(0, _EPT_DEG // 16, hist_body, 0)

    pltpu.sync_copy(hist, out_hbm.at[pl.ds(wid * _NPAD, _NPAD)])


@functools.partial(
    pl.kernel,
    mesh=_mesh,
    out_type=jax.ShapeDtypeStruct((_NC * _NPAD, _DH), jnp.float32),
    scratch_types=(
        [
            pltpu.VMEM((_CPT, _CB), jnp.int32),
            pltpu.VMEM((_CPT, _CB), jnp.int32),
            pltpu.VMEM((128, _DH), jnp.float32),
            pltpu.VMEM_SHARED((_NPAD, _DH), jnp.float32),
        ]
        + [pltpu.VMEM((_CB, _DH), jnp.float32) for _ in range(_R)]
        + [pltpu.SemaphoreType.DMA for _ in range(_R)]
    ),
    compiler_params=_sc_params_lin,
)
def _agg_sc(hs_hbm, row2_hbm, col2_hbm, out_hbm, ridx, cidx, zbuf, accum, *bufs):
    rows = bufs[:_R]
    gsems = bufs[_R:2 * _R]
    c = lax.axis_index("c")
    s = lax.axis_index("s")
    z16 = jnp.zeros((16,), jnp.float32)

    def zb(i, _):
        r = i // (_DH // 16)
        q = i % (_DH // 16)
        zbuf[r, pl.ds(q * 16, 16)] = z16
        return 0

    lax.fori_loop(0, 128 * (_DH // 16), zb, 0)

    rbase = s * _RPT
    for k in range(_RPT // 128):
        pltpu.sync_copy(zbuf, accum.at[pl.ds(rbase + k * 128, 128), :])
    rem = _RPT % 128
    if rem:
        pltpu.sync_copy(
            zbuf.at[pl.ds(0, rem), :],
            accum.at[pl.ds(rbase + (_RPT // 128) * 128, rem), :],
        )
    plsc.subcore_barrier()

    pltpu.sync_copy(row2_hbm.at[s], ridx)
    pltpu.sync_copy(col2_hbm.at[s], cidx)

    for p in range(_G):
        pltpu.async_copy(hs_hbm.at[c].at[ridx.at[p]], rows[p], gsems[p])

    def group(g, _):
        for p in range(_R):
            k = g * _R + p
            pf = (p + _G) % _R
            j = k + _G

            @pl.when(j < _CPT)
            def _():
                pltpu.async_copy(hs_hbm.at[c].at[ridx.at[j]], rows[pf], gsems[pf])

            pltpu.make_async_copy(
                hs_hbm.at[c].at[pl.ds(0, _CB), :], rows[p], gsems[p]
            ).wait()
            pltpu.sync_copy(rows[p], accum.at[cidx.at[k]], add=True)
        return 0

    lax.fori_loop(0, _CPT // _R, group, 0)
    plsc.subcore_barrier()

    pltpu.sync_copy(
        accum.at[pl.ds(rbase, _RPT), :],
        out_hbm.at[pl.ds(c * _NPAD + rbase, _RPT), :],
    )


def _pre_body(x_ref, w_ref, b_ref, dg_ref, hs_ref, dis_ref):
    dp = dg_ref[...]
    ones_col = jnp.ones((_NW, 1), jnp.float32)
    deg = lax.dot_general(
        dp, ones_col, (((0,), (0,)), ((), ())),
        preferred_element_type=jnp.float32,
    ) + 1.0
    dis = lax.rsqrt(deg)[0:_N, :]
    h = lax.dot_general(
        x_ref[...], w_ref[...], (((1,), (1,)), ((), ())),
        preferred_element_type=jnp.float32,
    ) + b_ref[...]
    hs = h * dis
    hs_ref[0] = hs[:, 0:_DH]
    hs_ref[1] = hs[:, _DH:_D]
    dis_ref[...] = dis


_pre = pl.pallas_call(
    _pre_body,
    out_shape=(
        jax.ShapeDtypeStruct((_NC, _N, _DH), jnp.float32),
        jax.ShapeDtypeStruct((_N, 1), jnp.float32),
    ),
)


def _mid_body(agg_ref, hs1_ref, dis_ref, w_ref, b_ref, hs2_ref):
    dis = dis_ref[...]
    a = (agg_ref[:, 0:_N, :] + hs1_ref[...]) * dis
    o1 = jnp.maximum(a, 0.0)
    h1 = jnp.concatenate([o1[0], o1[1]], axis=1)
    h2 = lax.dot_general(
        h1, w_ref[...], (((1,), (1,)), ((), ())),
        preferred_element_type=jnp.float32,
    ) + b_ref[...]
    hs2 = h2 * dis
    hs2_ref[0] = hs2[:, 0:_DH]
    hs2_ref[1] = hs2[:, _DH:_D]


_mid = pl.pallas_call(
    _mid_body,
    out_shape=jax.ShapeDtypeStruct((_NC, _N, _DH), jnp.float32),
)


def _post_body(agg_ref, hs2_ref, dis_ref, out_ref):
    dis = dis_ref[...]
    hsp = (agg_ref[:, 0:_N, :] + hs2_ref[...]) * dis
    h = jnp.concatenate([hsp[0], hsp[1]], axis=1)
    m = jnp.max(h, axis=1, keepdims=True)
    ex = jnp.exp(h - m)
    se = jnp.sum(ex, axis=1, keepdims=True)
    out_ref[...] = h - m - jnp.log(se)


_post = pl.pallas_call(
    _post_body,
    out_shape=jax.ShapeDtypeStruct((_N, _D), jnp.float32),
)


def kernel(x, edge_index, W1, b1, W2, b2):
    row = edge_index[0]
    col = edge_index[1]
    row2 = row.reshape(_NS, _CPT, _CB)
    col2 = col.reshape(_NS, _CPT, _CB)

    deg_parts = _deg_sc(row).reshape(_NW, _NPAD)

    hs1, dis = _pre(x, W1, b1[None, :], deg_parts)

    agg1 = _agg_sc(hs1, row2, col2).reshape(_NC, _NPAD, _DH)
    hs2 = _mid(agg1, hs1, dis, W2, b2[None, :])

    agg2 = _agg_sc(hs2, row2, col2).reshape(_NC, _NPAD, _DH)
    return _post(agg2, hs2, dis)

# --- scband reference (transcript-rebuilt; emitter-appended) ---
"""Pipeline reference for scband-ignn-1168231104602 (READ-ONLY COPY).

The authoritative reference and input builder live on the scoring server;
editing this copy changes nothing except your own understanding.
"""

import jax, jax.numpy as jnp
import numpy as np

N = 10000
E = 320000
D_IN = 128
D_HID = 128
D_OUT = 128


def setup_inputs(seed: int = 0) -> dict:
    key = jax.random.key(seed)
    k1, k2, k3, k4, k5, k6 = jax.random.split(key, 6)
    x = jax.random.normal(k1, (N, D_IN), dtype=jnp.float32)
    edge_index = jax.random.randint(k2, (2, E), 0, N, dtype=jnp.int32)
    # Linear layers (PyTorch Linear: y = x @ W.T + b), Kaiming-uniform-ish init
    lim1 = 1.0 / np.sqrt(D_IN)
    W1 = jax.random.uniform(k3, (D_HID, D_IN), minval=-lim1, maxval=lim1, dtype=jnp.float32)
    b1 = jax.random.uniform(k4, (D_HID,), minval=-lim1, maxval=lim1, dtype=jnp.float32)
    lim2 = 1.0 / np.sqrt(D_HID)
    W2 = jax.random.uniform(k5, (D_OUT, D_HID), minval=-lim2, maxval=lim2, dtype=jnp.float32)
    b2 = jax.random.uniform(k6, (D_OUT,), minval=-lim2, maxval=lim2, dtype=jnp.float32)
    return {"x": x, "edge_index": edge_index, "W1": W1, "b1": b1, "W2": W2, "b2": b2}


def _ignn_conv(x, row, col, W, b, num_nodes):
    # x = self.lin(x)
    h = x @ W.T + b
    # deg = degree(row, size[0]); norm = deg^-0.5[row] * deg^-0.5[col]
    deg = jnp.zeros((num_nodes,), dtype=h.dtype).at[row].add(1.0)
    deg_inv_sqrt = jnp.power(deg, -0.5)
    norm = deg_inv_sqrt[row] * deg_inv_sqrt[col]
    # message: norm * x_j ; aggregate: scatter-add to dst (col)
    msg = norm[:, None] * jnp.take(h, row, axis=0)
    out = jnp.zeros_like(h).at[col].add(msg)
    return out


def reference(x, edge_index, W1, b1, W2, b2):
    num_nodes = x.shape[0]
    # add_self_loops
    loops = jnp.arange(num_nodes, dtype=edge_index.dtype)
    row = jnp.concatenate([edge_index[0], loops])
    col = jnp.concatenate([edge_index[1], loops])
    h = _ignn_conv(x, row, col, W1, b1, num_nodes)
    h = jax.nn.relu(h)
    # dropout is identity in eval mode
    h = _ignn_conv(h, row, col, W2, b2, num_nodes)
    return jax.nn.log_softmax(h, axis=1)

if __name__ == "__main__":
    import jax
    _d = setup_inputs()
    print(jax.jit(kernel)(*tuple(_d.values())))

</pallas_src>

<mosaic_0001>
#map = affine_map<(d0, d1) -> (0, 0, 0)>
#map1 = affine_map<(d0, d1) -> (0, 0)>
module attributes {stable_mosaic.version = 14 : i64} {
  func.func @_agg_sc(%arg0: i32, %arg1: i32, %arg2: memref<2x10000x64xf32, #tpu.memory_space<hbm>>, %arg3: memref<16x160x125xi32, #tpu.memory_space<hbm>>, %arg4: memref<16x160x125xi32, #tpu.memory_space<hbm>>, %arg5: memref<20224x64xf32, #tpu.memory_space<hbm>>, %arg6: memref<160x125xi32, #tpu.memory_space<vmem>>, %arg7: memref<160x125xi32, #tpu.memory_space<vmem>>, %arg8: memref<128x64xf32, #tpu.memory_space<vmem>>, %arg9: memref<10112x64xf32, #tpu.memory_space<vmem_shared>>, %arg10: memref<125x64xf32, #tpu.memory_space<vmem>>, %arg11: memref<125x64xf32, #tpu.memory_space<vmem>>, %arg12: memref<125x64xf32, #tpu.memory_space<vmem>>, %arg13: memref<125x64xf32, #tpu.memory_space<vmem>>, %arg14: memref<!tpu.dma_semaphore, #tpu.memory_space<semaphore_mem>>, %arg15: memref<!tpu.dma_semaphore, #tpu.memory_space<semaphore_mem>>, %arg16: memref<!tpu.dma_semaphore, #tpu.memory_space<semaphore_mem>>, %arg17: memref<!tpu.dma_semaphore, #tpu.memory_space<semaphore_mem>>) attributes {dimension_semantics = [#tpu.dimension_semantics<core_parallel>, #tpu.dimension_semantics<subcore_parallel>], iteration_bounds = array<i64: 2, 16>, scalar_prefetch = 0 : i64, scratch_operands = 12 : i64, tpu.core_type = #tpu.core_type<sc_vector_subcore>, window_params = [{transform_indices = #map}, {transform_indices = #map}, {transform_indices = #map}, {transform_indices = #map1}]} {
    %broadcast_in_dim3A = arith.constant 0.000000e+00 : f32
    %broadcast_in_dim3A_0 = vector.broadcast %broadcast_in_dim3A : f32 to vector<16xf32>
    %scan3A = arith.constant 0 : i32
    %scan3A_1 = arith.constant 0 : i32
    %scan3A_2 = arith.constant 512 : i32
    %scan3A_3 = arith.addi %scan3A_1, %scan3A_2 : i32
    %scan3A_4 = arith.constant 1 : i32
    %scan3A_5 = scf.for %scan3A_60 = %scan3A_1 to %scan3A_3 step %scan3A_4 iter_args(%scan3A_61 = %scan3A) -> (i32)  : i32 {
      %jit3A = arith.constant 4 : i32
      %div3A = arith.divsi %scan3A_60, %jit3A : i32
      %sign3A = arith.constant 0 : i32
      %sign3A_62 = arith.cmpi sgt, %scan3A_60, %sign3A : i32
      %sign3A_63 = arith.extui %sign3A_62 : i1 to i32
      %sign3A_64 = arith.constant 0 : i32
      %sign3A_65 = arith.cmpi slt, %scan3A_60, %sign3A_64 : i32
      %sign3A_66 = arith.extui %sign3A_65 : i1 to i32
      %sign3A_67 = arith.subi %sign3A_63, %sign3A_66 : i32
      %sign3A_68 = arith.constant 0 : i32
      %sign3A_69 = arith.cmpi sgt, %jit3A, %sign3A_68 : i32
      %sign3A_70 = arith.extui %sign3A_69 : i1 to i32
      %sign3A_71 = arith.constant 0 : i32
      %sign3A_72 = arith.cmpi slt, %jit3A, %sign3A_71 : i32
      %sign3A_73 = arith.extui %sign3A_72 : i1 to i32
      %sign3A_74 = arith.subi %sign3A_70, %sign3A_73 : i32
      %ne3A = arith.cmpi ne, %sign3A_67, %sign3A_74 : i32
      %rem3A = arith.remsi %scan3A_60, %jit3A : i32
      %ne3A_75 = arith.constant 0 : i32
      %ne3A_76 = arith.cmpi ne, %rem3A, %ne3A_75 : i32
      %and3A = arith.andi %ne3A, %ne3A_76 : i1
      %sub3A = arith.constant 1 : i32
      %sub3A_77 = arith.subi %div3A, %sub3A : i32
      %select_n3A = arith.select %and3A, %sub3A_77, %div3A : i32
      %jit3A_78 = arith.constant 4 : i32
      %eq3A = arith.constant 0 : i32
      %eq3A_79 = arith.cmpi eq, %jit3A_78, %eq3A : i32
      %jit3A_80 = arith.constant 1 : i32
      %select_n3A_81 = arith.select %eq3A_79, %jit3A_80, %jit3A_78 : i32
      %rem3A_82 = arith.remsi %scan3A_60, %select_n3A_81 : i32
      %ne3A_83 = arith.constant 0 : i32
      %ne3A_84 = arith.cmpi ne, %rem3A_82, %ne3A_83 : i32
      %lt3A = arith.constant 0 : i32
      %lt3A_85 = arith.cmpi slt, %rem3A_82, %lt3A : i32
      %lt3A_86 = arith.constant 0 : i32
      %lt3A_87 = arith.cmpi slt, %select_n3A_81, %lt3A_86 : i32
      %ne3A_88 = arith.xori %lt3A_85, %lt3A_87 : i1
      %and3A_89 = arith.andi %ne3A_88, %ne3A_84 : i1
      %add3A_90 = arith.addi %rem3A_82, %select_n3A_81 : i32
      %select_n3A_91 = arith.select %and3A_89, %add3A_90, %rem3A_82 : i32
      %mul3A_92 = arith.constant 16 : i32
      %mul3A_93 = arith.muli %select_n3A_91, %mul3A_92 : i32
      %swap3A = arith.index_cast %select_n3A : i32 to index
      %swap3A_94 = arith.index_cast %mul3A_93 : i32 to index
      %swap3A_95 = tpu.vector_load %arg8[%swap3A, %swap3A_94] {strides = array<i32>} : memref<128x64xf32, #tpu.memory_space<vmem>>, vector<16xf32>,
      tpu.vector_store %arg8[%swap3A, %swap3A_94], %broadcast_in_dim3A_0 {strides = array<i32>} : memref<128x64xf32, #tpu.memory_space<vmem>>, vector<16xf32>,
      %scan3A_96 = arith.constant 0 : i32
      scf.yield %scan3A_96 : i32
    }
    %scan3A_6 = arith.constant 512 : i32
    %mul3A = arith.constant 632 : i32
    %mul3A_7 = arith.muli %arg1, %mul3A : i32
    %add3A = arith.constant 0 : i32
    %add3A_8 = arith.addi %mul3A_7, %add3A : i32
    "tpu.region"() ({
      %run_scoped3A = tpu.sem_alloc : memref<!tpu.dma_semaphore, #tpu.memory_space<semaphore_mem>>
      %dma_start3A_60 = arith.constant 0 : i32
      %dma_start3A_61 = tpu.memref_slice %arg9[%add3A_8, %dma_start3A_60] : memref<10112x64xf32, #tpu.memory_space<vmem_shared>> -> memref<128x64xf32, #tpu.memory_space<vmem_shared>>
      %dma_start3A_62 = arith.constant 0 : i32
      %dma_start3A_63 = tpu.memref_slice %arg9[%add3A_8, %dma_start3A_62] : memref<10112x64xf32, #tpu.memory_space<vmem_shared>> -> memref<128x64xf32, #tpu.memory_space<vmem_shared>>
      tpu.enqueue_dma source(%arg8 : memref<128x64xf32, #tpu.memory_space<vmem>>) target(%dma_start3A_63 : memref<128x64xf32, #tpu.memory_space<vmem_shared>>) target_semaphore(%run_scoped3A : memref<!tpu.dma_semaphore, #tpu.memory_space<semaphore_mem>>)
      %dma_wait3A = arith.constant 0 : i32
      %dma_wait3A_64 = tpu.memref_slice %arg9[%add3A_8, %dma_wait3A] : memref<10112x64xf32, #tpu.memory_space<vmem_shared>> -> memref<128x64xf32, #tpu.memory_space<vmem_shared>>
      %dma_wait3A_65 = arith.constant 0 : i32
      %dma_wait3A_66 = tpu.memref_slice %arg9[%add3A_8, %dma_wait3A_65] : memref<10112x64xf32, #tpu.memory_space<vmem_shared>> -> memref<128x64xf32, #tpu.memory_space<vmem_shared>>
      tpu.wait_dma2 semaphore(%run_scoped3A : memref<!tpu.dma_semaphore, #tpu.memory_space<semaphore_mem>>) src(%arg8 : memref<128x64xf32, #tpu.memory_space<vmem>>) dst(%dma_wait3A_66 : memref<128x64xf32, #tpu.memory_space<vmem_shared>>)
      tpu.yield
    }) : () -> ()
    %add3A_9 = arith.constant 128 : i32
    %add3A_10 = arith.addi %mul3A_7, %add3A_9 : i32
    "tpu.region"() ({
      %run_scoped3A = tpu.sem_alloc : memref<!tpu.dma_semaphore, #tpu.memory_space<semaphore_mem>>
      %dma_start3A_60 = arith.constant 0 : i32
      %dma_start3A_61 = tpu.memref_slice %arg9[%add3A_10, %dma_start3A_60] : memref<10112x64xf32, #tpu.memory_space<vmem_shared>> -> memref<128x64xf32, #tpu.memory_space<vmem_shared>>
      %dma_start3A_62 = arith.constant 0 : i32
      %dma_start3A_63 = tpu.memref_slice %arg9[%add3A_10, %dma_start3A_62] : memref<10112x64xf32, #tpu.memory_space<vmem_shared>> -> memref<128x64xf32, #tpu.memory_space<vmem_shared>>
      tpu.enqueue_dma source(%arg8 : memref<128x64xf32, #tpu.memory_space<vmem>>) target(%dma_start3A_63 : memref<128x64xf32, #tpu.memory_space<vmem_shared>>) target_semaphore(%run_scoped3A : memref<!tpu.dma_semaphore, #tpu.memory_space<semaphore_mem>>)
      %dma_wait3A = arith.constant 0 : i32
      %dma_wait3A_64 = tpu.memref_slice %arg9[%add3A_10, %dma_wait3A] : memref<10112x64xf32, #tpu.memory_space<vmem_shared>> -> memref<128x64xf32, #tpu.memory_space<vmem_shared>>
      %dma_wait3A_65 = arith.constant 0 : i32
      %dma_wait3A_66 = tpu.memref_slice %arg9[%add3A_10, %dma_wait3A_65] : memref<10112x64xf32, #tpu.memory_space<vmem_shared>> -> memref<128x64xf32, #tpu.memory_space<vmem_shared>>
      tpu.wait_dma2 semaphore(%run_scoped3A : memref<!tpu.dma_semaphore, #tpu.memory_space<semaphore_mem>>) src(%arg8 : memref<128x64xf32, #tpu.memory_space<vmem>>) dst(%dma_wait3A_66 : memref<128x64xf32, #tpu.memory_space<vmem_shared>>)
      tpu.yield
    }) : () -> ()
    %add3A_11 = arith.constant 256 : i32
    %add3A_12 = arith.addi %mul3A_7, %add3A_11 : i32
    "tpu.region"() ({
      %run_scoped3A = tpu.sem_alloc : memref<!tpu.dma_semaphore, #tpu.memory_space<semaphore_mem>>
      %dma_start3A_60 = arith.constant 0 : i32
      %dma_start3A_61 = tpu.memref_slice %arg9[%add3A_12, %dma_start3A_60] : memref<10112x64xf32, #tpu.memory_space<vmem_shared>> -> memref<128x64xf32, #tpu.memory_space<vmem_shared>>
      %dma_start3A_62 = arith.constant 0 : i32
      %dma_start3A_63 = tpu.memref_slice %arg9[%add3A_12, %dma_start3A_62] : memref<10112x64xf32, #tpu.memory_space<vmem_shared>> -> memref<128x64xf32, #tpu.memory_space<vmem_shared>>
      tpu.enqueue_dma source(%arg8 : memref<128x64xf32, #tpu.memory_space<vmem>>) target(%dma_start3A_63 : memref<128x64xf32, #tpu.memory_space<vmem_shared>>) target_semaphore(%run_scoped3A : memref<!tpu.dma_semaphore, #tpu.memory_space<semaphore_mem>>)
      %dma_wait3A = arith.constant 0 : i32
      %dma_wait3A_64 = tpu.memref_slice %arg9[%add3A_12, %dma_wait3A] : memref<10112x64xf32, #tpu.memory_space<vmem_shared>> -> memref<128x64xf32, #tpu.memory_space<vmem_shared>>
      %dma_wait3A_65 = arith.constant 0 : i32
      %dma_wait3A_66 = tpu.memref_slice %arg9[%add3A_12, %dma_wait3A_65] : memref<10112x64xf32, #tpu.memory_space<vmem_shared>> -> memref<128x64xf32, #tpu.memory_space<vmem_shared>>
      tpu.wait_dma2 semaphore(%run_scoped3A : memref<!tpu.dma_semaphore, #tpu.memory_space<semaphore_mem>>) src(%arg8 : memref<128x64xf32, #tpu.memory_space<vmem>>) dst(%dma_wait3A_66 : memref<128x64xf32, #tpu.memory_space<vmem_shared>>)
      tpu.yield
    }) : () -> ()
    %add3A_13 = arith.constant 384 : i32
    %add3A_14 = arith.addi %mul3A_7, %add3A_13 : i32
    "tpu.region"() ({
      %run_scoped3A = tpu.sem_alloc : memref<!tpu.dma_semaphore, #tpu.memory_space<semaphore_mem>>
      %dma_start3A_60 = arith.constant 0 : i32
      %dma_start3A_61 = tpu.memref_slice %arg9[%add3A_14, %dma_start3A_60] : memref<10112x64xf32, #tpu.memory_space<vmem_shared>> -> memref<128x64xf32, #tpu.memory_space<vmem_shared>>
      %dma_start3A_62 = arith.constant 0 : i32
      %dma_start3A_63 = tpu.memref_slice %arg9[%add3A_14, %dma_start3A_62] : memref<10112x64xf32, #tpu.memory_space<vmem_shared>> -> memref<128x64xf32, #tpu.memory_space<vmem_shared>>
      tpu.enqueue_dma source(%arg8 : memref<128x64xf32, #tpu.memory_space<vmem>>) target(%dma_start3A_63 : memref<128x64xf32, #tpu.memory_space<vmem_shared>>) target_semaphore(%run_scoped3A : memref<!tpu.dma_semaphore, #tpu.memory_space<semaphore_mem>>)
      %dma_wait3A = arith.constant 0 : i32
      %dma_wait3A_64 = tpu.memref_slice %arg9[%add3A_14, %dma_wait3A] : memref<10112x64xf32, #tpu.memory_space<vmem_shared>> -> memref<128x64xf32, #tpu.memory_space<vmem_shared>>
      %dma_wait3A_65 = arith.constant 0 : i32
      %dma_wait3A_66 = tpu.memref_slice %arg9[%add3A_14, %dma_wait3A_65] : memref<10112x64xf32, #tpu.memory_space<vmem_shared>> -> memref<128x64xf32, #tpu.memory_space<vmem_shared>>
      tpu.wait_dma2 semaphore(%run_scoped3A : memref<!tpu.dma_semaphore, #tpu.memory_space<semaphore_mem>>) src(%arg8 : memref<128x64xf32, #tpu.memory_space<vmem>>) dst(%dma_wait3A_66 : memref<128x64xf32, #tpu.memory_space<vmem_shared>>)
      tpu.yield
    }) : () -> ()
    %add3A_15 = arith.constant 512 : i32
    %add3A_16 = arith.addi %mul3A_7, %add3A_15 : i32
    "tpu.region"() ({
      %run_scoped3A = tpu.sem_alloc : memref<!tpu.dma_semaphore, #tpu.memory_space<semaphore_mem>>
      %dma_start3A_60 = arith.constant 0 : i32
      %dma_start3A_61 = arith.constant 0 : i32
      %dma_start3A_62 = tpu.memref_slice %arg8[%dma_start3A_60, %dma_start3A_61] : memref<128x64xf32, #tpu.memory_space<vmem>> -> memref<120x64xf32, #tpu.memory_space<vmem>>
      %dma_start3A_63 = arith.constant 0 : i32
      %dma_start3A_64 = tpu.memref_slice %arg9[%add3A_16, %dma_start3A_63] : memref<10112x64xf32, #tpu.memory_space<vmem_shared>> -> memref<120x64xf32, #tpu.memory_space<vmem_shared>>
      %dma_start3A_65 = arith.constant 0 : i32
      %dma_start3A_66 = tpu.memref_slice %arg9[%add3A_16, %dma_start3A_65] : memref<10112x64xf32, #tpu.memory_space<vmem_shared>> -> memref<120x64xf32, #tpu.memory_space<vmem_shared>>
      %dma_start3A_67 = arith.constant 0 : i32
      %dma_start3A_68 = arith.constant 0 : i32
      %dma_start3A_69 = tpu.memref_slice %arg8[%dma_start3A_67, %dma_start3A_68] : memref<128x64xf32, #tpu.memory_space<vmem>> -> memref<120x64xf32, #tpu.memory_space<vmem>>
      tpu.enqueue_dma source(%dma_start3A_69 : memref<120x64xf32, #tpu.memory_space<vmem>>) target(%dma_start3A_66 : memref<120x64xf32, #tpu.memory_space<vmem_shared>>) target_semaphore(%run_scoped3A : memref<!tpu.dma_semaphore, #tpu.memory_space<semaphore_mem>>)
      %dma_wait3A = arith.constant 0 : i32
      %dma_wait3A_70 = arith.constant 0 : i32
      %dma_wait3A_71 = tpu.memref_slice %arg8[%dma_wait3A, %dma_wait3A_70] : memref<128x64xf32, #tpu.memory_space<vmem>> -> memref<120x64xf32, #tpu.memory_space<vmem>>
      %dma_wait3A_72 = arith.constant 0 : i32
      %dma_wait3A_73 = tpu.memref_slice %arg9[%add3A_16, %dma_wait3A_72] : memref<10112x64xf32, #tpu.memory_space<vmem_shared>> -> memref<120x64xf32, #tpu.memory_space<vmem_shared>>
      %dma_wait3A_74 = arith.constant 0 : i32
      %dma_wait3A_75 = tpu.memref_slice %arg9[%add3A_16, %dma_wait3A_74] : memref<10112x64xf32, #tpu.memory_space<vmem_shared>> -> memref<120x64xf32, #tpu.memory_space<vmem_shared>>
      %dma_wait3A_76 = arith.constant 0 : i32
      %dma_wait3A_77 = arith.constant 0 : i32
      %dma_wait3A_78 = tpu.memref_slice %arg8[%dma_wait3A_76, %dma_wait3A_77] : memref<128x64xf32, #tpu.memory_space<vmem>> -> memref<120x64xf32, #tpu.memory_space<vmem>>
      tpu.wait_dma2 semaphore(%run_scoped3A : memref<!tpu.dma_semaphore, #tpu.memory_space<semaphore_mem>>) src(%dma_wait3A_78 : memref<120x64xf32, #tpu.memory_space<vmem>>) dst(%dma_wait3A_75 : memref<120x64xf32, #tpu.memory_space<vmem_shared>>)
      tpu.yield
    }) : () -> ()
    %barrier3A = arith.constant 0 : index
    tpu.barrier barrier_id(%barrier3A)
    "tpu.region"() ({
      %run_scoped3A = tpu.sem_alloc : memref<!tpu.dma_semaphore, #tpu.memory_space<semaphore_mem>>
      %dma_start3A_60 = arith.constant 0 : i32
      %dma_start3A_61 = arith.constant 0 : i32
      %dma_start3A_62 = tpu.memref_slice %arg3[%arg1, %dma_start3A_60, %dma_start3A_61] : memref<16x160x125xi32, #tpu.memory_space<hbm>> -> memref<1x160x125xi32, #tpu.memory_space<hbm>>
      %dma_start3A_63 = tpu.memref_squeeze %dma_start3A_62 : memref<1x160x125xi32, #tpu.memory_space<hbm>> -> memref<160x125xi32, #tpu.memory_space<hbm>>
      %dma_start3A_64 = arith.constant 0 : i32
      %dma_start3A_65 = arith.constant 0 : i32
      %dma_start3A_66 = tpu.memref_slice %arg3[%arg1, %dma_start3A_64, %dma_start3A_65] : memref<16x160x125xi32, #tpu.memory_space<hbm>> -> memref<1x160x125xi32, #tpu.memory_space<hbm>>
      %dma_start3A_67 = tpu.memref_squeeze %dma_start3A_66 : memref<1x160x125xi32, #tpu.memory_space<hbm>> -> memref<160x125xi32, #tpu.memory_space<hbm>>
      tpu.enqueue_dma source(%dma_start3A_67 : memref<160x125xi32, #tpu.memory_space<hbm>>) target(%arg6 : memref<160x125xi32, #tpu.memory_space<vmem>>) target_semaphore(%run_scoped3A : memref<!tpu.dma_semaphore, #tpu.memory_space<semaphore_mem>>)
      %dma_wait3A = arith.constant 0 : i32
      %dma_wait3A_68 = arith.constant 0 : i32
      %dma_wait3A_69 = tpu.memref_slice %arg3[%arg1, %dma_wait3A, %dma_wait3A_68] : memref<16x160x125xi32, #tpu.memory_space<hbm>> -> memref<1x160x125xi32, #tpu.memory_space<hbm>>
      %dma_wait3A_70 = tpu.memref_squeeze %dma_wait3A_69 : memref<1x160x125xi32, #tpu.memory_space<hbm>> -> memref<160x125xi32, #tpu.memory_space<hbm>>
      %dma_wait3A_71 = arith.constant 0 : i32
      %dma_wait3A_72 = arith.constant 0 : i32
      %dma_wait3A_73 = tpu.memref_slice %arg3[%arg1, %dma_wait3A_71, %dma_wait3A_72] : memref<16x160x125xi32, #tpu.memory_space<hbm>> -> memref<1x160x125xi32, #tpu.memory_space<hbm>>
      %dma_wait3A_74 = tpu.memref_squeeze %dma_wait3A_73 : memref<1x160x125xi32, #tpu.memory_space<hbm>> -> memref<160x125xi32, #tpu.memory_space<hbm>>
      tpu.wait_dma2 semaphore(%run_scoped3A : memref<!tpu.dma_semaphore, #tpu.memory_space<semaphore_mem>>) src(%dma_wait3A_74 : memref<160x125xi32, #tpu.memory_space<hbm>>) dst(%arg6 : memref<160x125xi32, #tpu.memory_space<vmem>>)
      tpu.yield
    }) : () -> ()
    "tpu.region"() ({
      %run_scoped3A = tpu.sem_alloc : memref<!tpu.dma_semaphore, #tpu.memory_space<semaphore_mem>>
      %dma_start3A_60 = arith.constant 0 : i32
      %dma_start3A_61 = arith.constant 0 : i32
      %dma_start3A_62 = tpu.memref_slice %arg4[%arg1, %dma_start3A_60, %dma_start3A_61] : memref<16x160x125xi32, #tpu.memory_space<hbm>> -> memref<1x160x125xi32, #tpu.memory_space<hbm>>
      %dma_start3A_63 = tpu.memref_squeeze %dma_start3A_62 : memref<1x160x125xi32, #tpu.memory_space<hbm>> -> memref<160x125xi32, #tpu.memory_space<hbm>>
      %dma_start3A_64 = arith.constant 0 : i32
      %dma_start3A_65 = arith.constant 0 : i32
      %dma_start3A_66 = tpu.memref_slice %arg4[%arg1, %dma_start3A_64, %dma_start3A_65] : memref<16x160x125xi32, #tpu.memory_space<hbm>> -> memref<1x160x125xi32, #tpu.memory_space<hbm>>
      %dma_start3A_67 = tpu.memref_squeeze %dma_start3A_66 : memref<1x160x125xi32, #tpu.memory_space<hbm>> -> memref<160x125xi32, #tpu.memory_space<hbm>>
      tpu.enqueue_dma source(%dma_start3A_67 : memref<160x125xi32, #tpu.memory_space<hbm>>) target(%arg7 : memref<160x125xi32, #tpu.memory_space<vmem>>) target_semaphore(%run_scoped3A : memref<!tpu.dma_semaphore, #tpu.memory_space<semaphore_mem>>)
      %dma_wait3A = arith.constant 0 : i32
      %dma_wait3A_68 = arith.constant 0 : i32
      %dma_wait3A_69 = tpu.memref_slice %arg4[%arg1, %dma_wait3A, %dma_wait3A_68] : memref<16x160x125xi32, #tpu.memory_space<hbm>> -> memref<1x160x125xi32, #tpu.memory_space<hbm>>
      %dma_wait3A_70 = tpu.memref_squeeze %dma_wait3A_69 : memref<1x160x125xi32, #tpu.memory_space<hbm>> -> memref<160x125xi32, #tpu.memory_space<hbm>>
      %dma_wait3A_71 = arith.constant 0 : i32
      %dma_wait3A_72 = arith.constant 0 : i32
      %dma_wait3A_73 = tpu.memref_slice %arg4[%arg1, %dma_wait3A_71, %dma_wait3A_72] : memref<16x160x125xi32, #tpu.memory_space<hbm>> -> memref<1x160x125xi32, #tpu.memory_space<hbm>>
      %dma_wait3A_74 = tpu.memref_squeeze %dma_wait3A_73 : memref<1x160x125xi32, #tpu.memory_space<hbm>> -> memref<160x125xi32, #tpu.memory_space<hbm>>
      tpu.wait_dma2 semaphore(%run_scoped3A : memref<!tpu.dma_semaphore, #tpu.memory_space<semaphore_mem>>) src(%dma_wait3A_74 : memref<160x125xi32, #tpu.memory_space<hbm>>) dst(%arg7 : memref<160x125xi32, #tpu.memory_space<vmem>>)
      tpu.yield
    }) : () -> ()
    %dma_start3A = arith.constant 0 : i32
    %dma_start3A_17 = arith.constant 0 : i32
    %dma_start3A_18 = tpu.memref_slice %arg6[%dma_start3A, %dma_start3A_17] : memref<160x125xi32, #tpu.memory_space<vmem>> -> memref<1x125xi32, #tpu.memory_space<vmem>>
    %dma_start3A_19 = tpu.memref_squeeze %dma_start3A_18 : memref<1x125xi32, #tpu.memory_space<vmem>> -> memref<125xi32, #tpu.memory_space<vmem>>
    %dma_start3A_20 = arith.constant 0 : i32
    %dma_start3A_21 = arith.constant 0 : i32
    %dma_start3A_22 = tpu.memref_slice %arg2[%arg0, %dma_start3A_20, %dma_start3A_21] : memref<2x10000x64xf32, #tpu.memory_space<hbm>> -> memref<1x10000x64xf32, #tpu.memory_space<hbm>>
    %dma_start3A_23 = tpu.memref_squeeze %dma_start3A_22 : memref<1x10000x64xf32, #tpu.memory_space<hbm>> -> memref<10000x64xf32, #tpu.memory_space<hbm>>
    %dma_start3A_24 = arith.constant 0 : i32
    %dma_start3A_25 = arith.constant 0 : i32
    %dma_start3A_26 = tpu.memref_slice %dma_start3A_23[%dma_start3A_24, %dma_start3A_25] : memref<10000x64xf32, #tpu.memory_space<hbm>> -> memref<10000x64xf32, #tpu.memory_space<hbm>>
    tpu.enqueue_indirect_dma source(%dma_start3A_26 : memref<10000x64xf32, #tpu.memory_space<hbm>>) target(%arg10 : memref<125x64xf32, #tpu.memory_space<vmem>>) offsets(%dma_start3A_19 : memref<125xi32, #tpu.memory_space<vmem>>) semaphore(%arg14 : memref<!tpu.dma_semaphore, #tpu.memory_space<semaphore_mem>>)
    %dma_start3A_27 = arith.constant 1 : i32
    %dma_start3A_28 = arith.constant 0 : i32
    %dma_start3A_29 = tpu.memref_slice %arg6[%dma_start3A_27, %dma_start3A_28] : memref<160x125xi32, #tpu.memory_space<vmem>> -> memref<1x125xi32, #tpu.memory_space<vmem>>
    %dma_start3A_30 = tpu.memref_squeeze %dma_start3A_29 : memref<1x125xi32, #tpu.memory_space<vmem>> -> memref<125xi32, #tpu.memory_space<vmem>>
    %dma_start3A_31 = arith.constant 0 : i32
    %dma_start3A_32 = arith.constant 0 : i32
    %dma_start3A_33 = tpu.memref_slice %arg2[%arg0, %dma_start3A_31, %dma_start3A_32] : memref<2x10000x64xf32, #tpu.memory_space<hbm>> -> memref<1x10000x64xf32, #tpu.memory_space<hbm>>
    %dma_start3A_34 = tpu.memref_squeeze %dma_start3A_33 : memref<1x10000x64xf32, #tpu.memory_space<hbm>> -> memref<10000x64xf32, #tpu.memory_space<hbm>>
    %dma_start3A_35 = arith.constant 0 : i32
    %dma_start3A_36 = arith.constant 0 : i32
    %dma_start3A_37 = tpu.memref_slice %dma_start3A_34[%dma_start3A_35, %dma_start3A_36] : memref<10000x64xf32, #tpu.memory_space<hbm>> -> memref<10000x64xf32, #tpu.memory_space<hbm>>
    tpu.enqueue_indirect_dma source(%dma_start3A_37 : memref<10000x64xf32, #tpu.memory_space<hbm>>) target(%arg11 : memref<125x64xf32, #tpu.memory_space<vmem>>) offsets(%dma_start3A_30 : memref<125xi32, #tpu.memory_space<vmem>>) semaphore(%arg15 : memref<!tpu.dma_semaphore, #tpu.memory_space<semaphore_mem>>)
    %dma_start3A_38 = arith.constant 2 : i32
    %dma_start3A_39 = arith.constant 0 : i32
    %dma_start3A_40 = tpu.memref_slice %arg6[%dma_start3A_38, %dma_start3A_39] : memref<160x125xi32, #tpu.memory_space<vmem>> -> memref<1x125xi32, #tpu.memory_space<vmem>>
    %dma_start3A_41 = tpu.memref_squeeze %dma_start3A_40 : memref<1x125xi32, #tpu.memory_space<vmem>> -> memref<125xi32, #tpu.memory_space<vmem>>
    %dma_start3A_42 = arith.constant 0 : i32
    %dma_start3A_43 = arith.constant 0 : i32
    %dma_start3A_44 = tpu.memref_slice %arg2[%arg0, %dma_start3A_42, %dma_start3A_43] : memref<2x10000x64xf32, #tpu.memory_space<hbm>> -> memref<1x10000x64xf32, #tpu.memory_space<hbm>>
    %dma_start3A_45 = tpu.memref_squeeze %dma_start3A_44 : memref<1x10000x64xf32, #tpu.memory_space<hbm>> -> memref<10000x64xf32, #tpu.memory_space<hbm>>
    %dma_start3A_46 = arith.constant 0 : i32
    %dma_start3A_47 = arith.constant 0 : i32
    %dma_start3A_48 = tpu.memref_slice %dma_start3A_45[%dma_start3A_46, %dma_start3A_47] : memref<10000x64xf32, #tpu.memory_space<hbm>> -> memref<10000x64xf32, #tpu.memory_space<hbm>>
    tpu.enqueue_indirect_dma source(%dma_start3A_48 : memref<10000x64xf32, #tpu.memory_space<hbm>>) target(%arg12 : memref<125x64xf32, #tpu.memory_space<vmem>>) offsets(%dma_start3A_41 : memref<125xi32, #tpu.memory_space<vmem>>) semaphore(%arg16 : memref<!tpu.dma_semaphore, #tpu.memory_space<semaphore_mem>>)
    %scan3A_49 = arith.constant 0 : i32
    %scan3A_50 = arith.constant 0 : i32
    %scan3A_51 = arith.constant 40 : i32
    %scan3A_52 = arith.addi %scan3A_50, %scan3A_51 : i32
    %scan3A_53 = arith.constant 1 : i32
    %scan3A_54 = scf.for %scan3A_60 = %scan3A_50 to %scan3A_52 step %scan3A_53 iter_args(%scan3A_61 = %scan3A_49) -> (i32)  : i32 {
      %mul3A_62 = arith.constant 4 : i32
      %mul3A_63 = arith.muli %scan3A_60, %mul3A_62 : i32
      %add3A_64 = arith.constant 0 : i32
      %add3A_65 = arith.addi %mul3A_63, %add3A_64 : i32
      %add3A_66 = arith.constant 3 : i32
      %add3A_67 = arith.addi %add3A_65, %add3A_66 : i32
      %lt3A = arith.constant 160 : i32
      %lt3A_68 = arith.cmpi slt, %add3A_67, %lt3A : i32
      %convert_element_type3A = arith.extui %lt3A_68 : i1 to i32
      %cond3A = arith.constant 0 : i32
      %cond3A_69 = arith.cmpi ne, %convert_element_type3A, %cond3A : i32
      scf.if %cond3A_69 {
        %dma_start3A_159 = arith.constant 0 : i32
        %dma_start3A_160 = tpu.memref_slice %arg6[%add3A_67, %dma_start3A_159] : memref<160x125xi32, #tpu.memory_space<vmem>> -> memref<1x125xi32, #tpu.memory_space<vmem>>
        %dma_start3A_161 = tpu.memref_squeeze %dma_start3A_160 : memref<1x125xi32, #tpu.memory_space<vmem>> -> memref<125xi32, #tpu.memory_space<vmem>>
        %dma_start3A_162 = arith.constant 0 : i32
        %dma_start3A_163 = arith.constant 0 : i32
        %dma_start3A_164 = tpu.memref_slice %arg2[%arg0, %dma_start3A_162, %dma_start3A_163] : memref<2x10000x64xf32, #tpu.memory_space<hbm>> -> memref<1x10000x64xf32, #tpu.memory_space<hbm>>
        %dma_start3A_165 = tpu.memref_squeeze %dma_start3A_164 : memref<1x10000x64xf32, #tpu.memory_space<hbm>> -> memref<10000x64xf32, #tpu.memory_space<hbm>>
        %dma_start3A_166 = arith.constant 0 : i32
        %dma_start3A_167 = arith.constant 0 : i32
        %dma_start3A_168 = tpu.memref_slice %dma_start3A_165[%dma_start3A_166, %dma_start3A_167] : memref<10000x64xf32, #tpu.memory_space<hbm>> -> memref<10000x64xf32, #tpu.memory_space<hbm>>
        tpu.enqueue_indirect_dma source(%dma_start3A_168 : memref<10000x64xf32, #tpu.memory_space<hbm>>) target(%arg13 : memref<125x64xf32, #tpu.memory_space<vmem>>) offsets(%dma_start3A_161 : memref<125xi32, #tpu.memory_space<vmem>>) semaphore(%arg17 : memref<!tpu.dma_semaphore, #tpu.memory_space<semaphore_mem>>)
      } else {
      }
      %dma_wait3A = arith.constant 0 : i32
      %dma_wait3A_70 = arith.constant 0 : i32
      %dma_wait3A_71 = tpu.memref_slice %arg2[%arg0, %dma_wait3A, %dma_wait3A_70] : memref<2x10000x64xf32, #tpu.memory_space<hbm>> -> memref<1x10000x64xf32, #tpu.memory_space<hbm>>
      %dma_wait3A_72 = tpu.memref_squeeze %dma_wait3A_71 : memref<1x10000x64xf32, #tpu.memory_space<hbm>> -> memref<10000x64xf32, #tpu.memory_space<hbm>>
      %dma_wait3A_73 = arith.constant 0 : i32
      %dma_wait3A_74 = arith.constant 0 : i32
      %dma_wait3A_75 = tpu.memref_slice %dma_wait3A_72[%dma_wait3A_73, %dma_wait3A_74] : memref<10000x64xf32, #tpu.memory_space<hbm>> -> memref<125x64xf32, #tpu.memory_space<hbm>>
      %dma_wait3A_76 = arith.constant 0 : i32
      %dma_wait3A_77 = arith.constant 0 : i32
      %dma_wait3A_78 = tpu.memref_slice %arg2[%arg0, %dma_wait3A_76, %dma_wait3A_77] : memref<2x10000x64xf32, #tpu.memory_space<hbm>> -> memref<1x10000x64xf32, #tpu.memory_space<hbm>>
      %dma_wait3A_79 = tpu.memref_squeeze %dma_wait3A_78 : memref<1x10000x64xf32, #tpu.memory_space<hbm>> -> memref<10000x64xf32, #tpu.memory_space<hbm>>
      %dma_wait3A_80 = arith.constant 0 : i32
      %dma_wait3A_81 = arith.constant 0 : i32
      %dma_wait3A_82 = tpu.memref_slice %dma_wait3A_79[%dma_wait3A_80, %dma_wait3A_81] : memref<10000x64xf32, #tpu.memory_space<hbm>> -> memref<125x64xf32, #tpu.memory_space<hbm>>
      tpu.wait_dma2 semaphore(%arg14 : memref<!tpu.dma_semaphore, #tpu.memory_space<semaphore_mem>>) src(%dma_wait3A_82 : memref<125x64xf32, #tpu.memory_space<hbm>>) dst(%arg10 : memref<125x64xf32, #tpu.memory_space<vmem>>)
      "tpu.region"() ({
        %run_scoped3A = tpu.sem_alloc : memref<!tpu.dma_semaphore, #tpu.memory_space<semaphore_mem>>
        %dma_start3A_159 = arith.constant 0 : i32
        %dma_start3A_160 = tpu.memref_slice %arg7[%add3A_65, %dma_start3A_159] : memref<160x125xi32, #tpu.memory_space<vmem>> -> memref<1x125xi32, #tpu.memory_space<vmem>>
        %dma_start3A_161 = tpu.memref_squeeze %dma_start3A_160 : memref<1x125xi32, #tpu.memory_space<vmem>> -> memref<125xi32, #tpu.memory_space<vmem>>
        %dma_start3A_162 = arith.constant 0 : i32
        %dma_start3A_163 = arith.constant 0 : i32
        %dma_start3A_164 = tpu.memref_slice %arg9[%dma_start3A_162, %dma_start3A_163] : memref<10112x64xf32, #tpu.memory_space<vmem_shared>> -> memref<10112x64xf32, #tpu.memory_space<vmem_shared>>
        tpu.enqueue_indirect_dma source(%arg10 : memref<125x64xf32, #tpu.memory_space<vmem>>) target(%dma_start3A_164 : memref<10112x64xf32, #tpu.memory_space<vmem_shared>>) offsets(%dma_start3A_161 : memref<125xi32, #tpu.memory_space<vmem>>) semaphore(%run_scoped3A : memref<!tpu.dma_semaphore, #tpu.memory_space<semaphore_mem>>) {add = true}
        %dma_wait3A_165 = arith.constant 0 : i32
        %dma_wait3A_166 = tpu.memref_slice %arg7[%add3A_65, %dma_wait3A_165] : memref<160x125xi32, #tpu.memory_space<vmem>> -> memref<1x125xi32, #tpu.memory_space<vmem>>
        %dma_wait3A_167 = tpu.memref_squeeze %dma_wait3A_166 : memref<1x125xi32, #tpu.memory_space<vmem>> -> memref<125xi32, #tpu.memory_space<vmem>>
        %dma_wait3A_168 = arith.constant 0 : i32
        %dma_wait3A_169 = arith.constant 0 : i32
        %dma_wait3A_170 = tpu.memref_slice %arg9[%dma_wait3A_168, %dma_wait3A_169] : memref<10112x64xf32, #tpu.memory_space<vmem_shared>> -> memref<10112x64xf32, #tpu.memory_space<vmem_shared>>
        tpu.wait_indirect_dma semaphore(%run_scoped3A : memref<!tpu.dma_semaphore, #tpu.memory_space<semaphore_mem>>) src(%arg10 : memref<125x64xf32, #tpu.memory_space<vmem>>) dst(%dma_wait3A_170 : memref<10112x64xf32, #tpu.memory_space<vmem_shared>>)
        tpu.yield
      }) : () -> ()
      %mul3A_83 = arith.constant 4 : i32
      %mul3A_84 = arith.muli %scan3A_60, %mul3A_83 : i32
      %add3A_85 = arith.constant 1 : i32
      %add3A_86 = arith.addi %mul3A_84, %add3A_85 : i32
      %add3A_87 = arith.constant 3 : i32
      %add3A_88 = arith.addi %add3A_86, %add3A_87 : i32
      %lt3A_89 = arith.constant 160 : i32
      %lt3A_90 = arith.cmpi slt, %add3A_88, %lt3A_89 : i32
      %convert_element_type3A_91 = arith.extui %lt3A_90 : i1 to i32
      %cond3A_92 = arith.constant 0 : i32
      %cond3A_93 = arith.cmpi ne, %convert_element_type3A_91, %cond3A_92 : i32
      scf.if %cond3A_93 {
        %dma_start3A_159 = arith.constant 0 : i32
        %dma_start3A_160 = tpu.memref_slice %arg6[%add3A_88, %dma_start3A_159] : memref<160x125xi32, #tpu.memory_space<vmem>> -> memref<1x125xi32, #tpu.memory_space<vmem>>
        %dma_start3A_161 = tpu.memref_squeeze %dma_start3A_160 : memref<1x125xi32, #tpu.memory_space<vmem>> -> memref<125xi32, #tpu.memory_space<vmem>>
        %dma_start3A_162 = arith.constant 0 : i32
        %dma_start3A_163 = arith.constant 0 : i32
        %dma_start3A_164 = tpu.memref_slice %arg2[%arg0, %dma_start3A_162, %dma_start3A_163] : memref<2x10000x64xf32, #tpu.memory_space<hbm>> -> memref<1x10000x64xf32, #tpu.memory_space<hbm>>
        %dma_start3A_165 = tpu.memref_squeeze %dma_start3A_164 : memref<1x10000x64xf32, #tpu.memory_space<hbm>> -> memref<10000x64xf32, #tpu.memory_space<hbm>>
        %dma_start3A_166 = arith.constant 0 : i32
        %dma_start3A_167 = arith.constant 0 : i32
        %dma_start3A_168 = tpu.memref_slice %dma_start3A_165[%dma_start3A_166, %dma_start3A_167] : memref<10000x64xf32, #tpu.memory_space<hbm>> -> memref<10000x64xf32, #tpu.memory_space<hbm>>
        tpu.enqueue_indirect_dma source(%dma_start3A_168 : memref<10000x64xf32, #tpu.memory_space<hbm>>) target(%arg10 : memref<125x64xf32, #tpu.memory_space<vmem>>) offsets(%dma_start3A_161 : memref<125xi32, #tpu.memory_space<vmem>>) semaphore(%arg14 : memref<!tpu.dma_semaphore, #tpu.memory_space<semaphore_mem>>)
      } else {
      }
      %dma_wait3A_94 = arith.constant 0 : i32
      %dma_wait3A_95 = arith.constant 0 : i32
      %dma_wait3A_96 = tpu.memref_slice %arg2[%arg0, %dma_wait3A_94, %dma_wait3A_95] : memref<2x10000x64xf32, #tpu.memory_space<hbm>> -> memref<1x10000x64xf32, #tpu.memory_space<hbm>>
      %dma_wait3A_97 = tpu.memref_squeeze %dma_wait3A_96 : memref<1x10000x64xf32, #tpu.memory_space<hbm>> -> memref<10000x64xf32, #tpu.memory_space<hbm>>
      %dma_wait3A_98 = arith.constant 0 : i32
      %dma_wait3A_99 = arith.constant 0 : i32
      %dma_wait3A_100 = tpu.memref_slice %dma_wait3A_97[%dma_wait3A_98, %dma_wait3A_99] : memref<10000x64xf32, #tpu.memory_space<hbm>> -> memref<125x64xf32, #tpu.memory_space<hbm>>
      %dma_wait3A_101 = arith.constant 0 : i32
      %dma_wait3A_102 = arith.constant 0 : i32
      %dma_wait3A_103 = tpu.memref_slice %arg2[%arg0, %dma_wait3A_101, %dma_wait3A_102] : memref<2x10000x64xf32, #tpu.memory_space<hbm>> -> memref<1x10000x64xf32, #tpu.memory_space<hbm>>
      %dma_wait3A_104 = tpu.memref_squeeze %dma_wait3A_103 : memref<1x10000x64xf32, #tpu.memory_space<hbm>> -> memref<10000x64xf32, #tpu.memory_space<hbm>>
      %dma_wait3A_105 = arith.constant 0 : i32
      %dma_wait3A_106 = arith.constant 0 : i32
      %dma_wait3A_107 = tpu.memref_slice %dma_wait3A_104[%dma_wait3A_105, %dma_wait3A_106] : memref<10000x64xf32, #tpu.memory_space<hbm>> -> memref<125x64xf32, #tpu.memory_space<hbm>>
      tpu.wait_dma2 semaphore(%arg15 : memref<!tpu.dma_semaphore, #tpu.memory_space<semaphore_mem>>) src(%dma_wait3A_107 : memref<125x64xf32, #tpu.memory_space<hbm>>) dst(%arg11 : memref<125x64xf32, #tpu.memory_space<vmem>>)
      "tpu.region"() ({
        %run_scoped3A = tpu.sem_alloc : memref<!tpu.dma_semaphore, #tpu.memory_space<semaphore_mem>>
        %dma_start3A_159 = arith.constant 0 : i32
        %dma_start3A_160 = tpu.memref_slice %arg7[%add3A_86, %dma_start3A_159] : memref<160x125xi32, #tpu.memory_space<vmem>> -> memref<1x125xi32, #tpu.memory_space<vmem>>
        %dma_start3A_161 = tpu.memref_squeeze %dma_start3A_160 : memref<1x125xi32, #tpu.memory_space<vmem>> -> memref<125xi32, #tpu.memory_space<vmem>>
        %dma_start3A_162 = arith.constant 0 : i32
        %dma_start3A_163 = arith.constant 0 : i32
        %dma_start3A_164 = tpu.memref_slice %arg9[%dma_start3A_162, %dma_start3A_163] : memref<10112x64xf32, #tpu.memory_space<vmem_shared>> -> memref<10112x64xf32, #tpu.memory_space<vmem_shared>>
        tpu.enqueue_indirect_dma source(%arg11 : memref<125x64xf32, #tpu.memory_space<vmem>>) target(%dma_start3A_164 : memref<10112x64xf32, #tpu.memory_space<vmem_shared>>) offsets(%dma_start3A_161 : memref<125xi32, #tpu.memory_space<vmem>>) semaphore(%run_scoped3A : memref<!tpu.dma_semaphore, #tpu.memory_space<semaphore_mem>>) {add = true}
        %dma_wait3A_165 = arith.constant 0 : i32
        %dma_wait3A_166 = tpu.memref_slice %arg7[%add3A_86, %dma_wait3A_165] : memref<160x125xi32, #tpu.memory_space<vmem>> -> memref<1x125xi32, #tpu.memory_space<vmem>>
        %dma_wait3A_167 = tpu.memref_squeeze %dma_wait3A_166 : memref<1x125xi32, #tpu.memory_space<vmem>> -> memref<125xi32, #tpu.memory_space<vmem>>
        %dma_wait3A_168 = arith.constant 0 : i32
        %dma_wait3A_169 = arith.constant 0 : i32
        %dma_wait3A_170 = tpu.memref_slice %arg9[%dma_wait3A_168, %dma_wait3A_169] : memref<10112x64xf32, #tpu.memory_space<vmem_shared>> -> memref<10112x64xf32, #tpu.memory_space<vmem_shared>>
        tpu.wait_indirect_dma semaphore(%run_scoped3A : memref<!tpu.dma_semaphore, #tpu.memory_space<semaphore_mem>>) src(%arg11 : memref<125x64xf32, #tpu.memory_space<vmem>>) dst(%dma_wait3A_170 : memref<10112x64xf32, #tpu.memory_space<vmem_shared>>)
        tpu.yield
      }) : () -> ()
      %mul3A_108 = arith.constant 4 : i32
      %mul3A_109 = arith.muli %scan3A_60, %mul3A_108 : i32
      %add3A_110 = arith.constant 2 : i32
      %add3A_111 = arith.addi %mul3A_109, %add3A_110 : i32
      %add3A_112 = arith.constant 3 : i32
      %add3A_113 = arith.addi %add3A_111, %add3A_112 : i32
      %lt3A_114 = arith.constant 160 : i32
      %lt3A_115 = arith.cmpi slt, %add3A_113, %lt3A_114 : i32
      %convert_element_type3A_116 = arith.extui %lt3A_115 : i1 to i32
      %cond3A_117 = arith.constant 0 : i32
      %cond3A_118 = arith.cmpi ne, %convert_element_type3A_116, %cond3A_117 : i32
      scf.if %cond3A_118 {
        %dma_start3A_159 = arith.constant 0 : i32
        %dma_start3A_160 = tpu.memref_slice %arg6[%add3A_113, %dma_start3A_159] : memref<160x125xi32, #tpu.memory_space<vmem>> -> memref<1x125xi32, #tpu.memory_space<vmem>>
        %dma_start3A_161 = tpu.memref_squeeze %dma_start3A_160 : memref<1x125xi32, #tpu.memory_space<vmem>> -> memref<125xi32, #tpu.memory_space<vmem>>
        %dma_start3A_162 = arith.constant 0 : i32
        %dma_start3A_163 = arith.constant 0 : i32
        %dma_start3A_164 = tpu.memref_slice %arg2[%arg0, %dma_start3A_162, %dma_start3A_163] : memref<2x10000x64xf32, #tpu.memory_space<hbm>> -> memref<1x10000x64xf32, #tpu.memory_space<hbm>>
        %dma_start3A_165 = tpu.memref_squeeze %dma_start3A_164 : memref<1x10000x64xf32, #tpu.memory_space<hbm>> -> memref<10000x64xf32, #tpu.memory_space<hbm>>
        %dma_start3A_166 = arith.constant 0 : i32
        %dma_start3A_167 = arith.constant 0 : i32
        %dma_start3A_168 = tpu.memref_slice %dma_start3A_165[%dma_start3A_166, %dma_start3A_167] : memref<10000x64xf32, #tpu.memory_space<hbm>> -> memref<10000x64xf32, #tpu.memory_space<hbm>>
        tpu.enqueue_indirect_dma source(%dma_start3A_168 : memref<10000x64xf32, #tpu.memory_space<hbm>>) target(%arg11 : memref<125x64xf32, #tpu.memory_space<vmem>>) offsets(%dma_start3A_161 : memref<125xi32, #tpu.memory_space<vmem>>) semaphore(%arg15 : memref<!tpu.dma_semaphore, #tpu.memory_space<semaphore_mem>>)
      } else {
      }
      %dma_wait3A_119 = arith.constant 0 : i32
      %dma_wait3A_120 = arith.constant 0 : i32
      %dma_wait3A_121 = tpu.memref_slice %arg2[%arg0, %dma_wait3A_119, %dma_wait3A_120] : memref<2x10000x64xf32, #tpu.memory_space<hbm>> -> memref<1x10000x64xf32, #tpu.memory_space<hbm>>
      %dma_wait3A_122 = tpu.memref_squeeze %dma_wait3A_121 : memref<1x10000x64xf32, #tpu.memory_space<hbm>> -> memref<10000x64xf32, #tpu.memory_space<hbm>>
      %dma_wait3A_123 = arith.constant 0 : i32
      %dma_wait3A_124 = arith.constant 0 : i32
      %dma_wait3A_125 = tpu.memref_slice %dma_wait3A_122[%dma_wait3A_123, %dma_wait3A_124] : memref<10000x64xf32, #tpu.memory_space<hbm>> -> memref<125x64xf32, #tpu.memory_space<hbm>>
      %dma_wait3A_126 = arith.constant 0 : i32
      %dma_wait3A_127 = arith.constant 0 : i32
      %dma_wait3A_128 = tpu.memref_slice %arg2[%arg0, %dma_wait3A_126, %dma_wait3A_127] : memref<2x10000x64xf32, #tpu.memory_space<hbm>> -> memref<1x10000x64xf32, #tpu.memory_space<hbm>>
      %dma_wait3A_129 = tpu.memref_squeeze %dma_wait3A_128 : memref<1x10000x64xf32, #tpu.memory_space<hbm>> -> memref<10000x64xf32, #tpu.memory_space<hbm>>
      %dma_wait3A_130 = arith.constant 0 : i32
      %dma_wait3A_131 = arith.constant 0 : i32
      %dma_wait3A_132 = tpu.memref_slice %dma_wait3A_129[%dma_wait3A_130, %dma_wait3A_131] : memref<10000x64xf32, #tpu.memory_space<hbm>> -> memref<125x64xf32, #tpu.memory_space<hbm>>
      tpu.wait_dma2 semaphore(%arg16 : memref<!tpu.dma_semaphore, #tpu.memory_space<semaphore_mem>>) src(%dma_wait3A_132 : memref<125x64xf32, #tpu.memory_space<hbm>>) dst(%arg12 : memref<125x64xf32, #tpu.memory_space<vmem>>)
      "tpu.region"() ({
        %run_scoped3A = tpu.sem_alloc : memref<!tpu.dma_semaphore, #tpu.memory_space<semaphore_mem>>
        %dma_start3A_159 = arith.constant 0 : i32
        %dma_start3A_160 = tpu.memref_slice %arg7[%add3A_111, %dma_start3A_159] : memref<160x125xi32, #tpu.memory_space<vmem>> -> memref<1x125xi32, #tpu.memory_space<vmem>>
        %dma_start3A_161 = tpu.memref_squeeze %dma_start3A_160 : memref<1x125xi32, #tpu.memory_space<vmem>> -> memref<125xi32, #tpu.memory_space<vmem>>
        %dma_start3A_162 = arith.constant 0 : i32
        %dma_start3A_163 = arith.constant 0 : i32
        %dma_start3A_164 = tpu.memref_slice %arg9[%dma_start3A_162, %dma_start3A_163] : memref<10112x64xf32, #tpu.memory_space<vmem_shared>> -> memref<10112x64xf32, #tpu.memory_space<vmem_shared>>
        tpu.enqueue_indirect_dma source(%arg12 : memref<125x64xf32, #tpu.memory_space<vmem>>) target(%dma_start3A_164 : memref<10112x64xf32, #tpu.memory_space<vmem_shared>>) offsets(%dma_start3A_161 : memref<125xi32, #tpu.memory_space<vmem>>) semaphore(%run_scoped3A : memref<!tpu.dma_semaphore, #tpu.memory_space<semaphore_mem>>) {add = true}
        %dma_wait3A_165 = arith.constant 0 : i32
        %dma_wait3A_166 = tpu.memref_slice %arg7[%add3A_111, %dma_wait3A_165] : memref<160x125xi32, #tpu.memory_space<vmem>> -> memref<1x125xi32, #tpu.memory_space<vmem>>
        %dma_wait3A_167 = tpu.memref_squeeze %dma_wait3A_166 : memref<1x125xi32, #tpu.memory_space<vmem>> -> memref<125xi32, #tpu.memory_space<vmem>>
        %dma_wait3A_168 = arith.constant 0 : i32
        %dma_wait3A_169 = arith.constant 0 : i32
        %dma_wait3A_170 = tpu.memref_slice %arg9[%dma_wait3A_168, %dma_wait3A_169] : memref<10112x64xf32, #tpu.memory_space<vmem_shared>> -> memref<10112x64xf32, #tpu.memory_space<vmem_shared>>
        tpu.wait_indirect_dma semaphore(%run_scoped3A : memref<!tpu.dma_semaphore, #tpu.memory_space<semaphore_mem>>) src(%arg12 : memref<125x64xf32, #tpu.memory_space<vmem>>) dst(%dma_wait3A_170 : memref<10112x64xf32, #tpu.memory_space<vmem_shared>>)
        tpu.yield
      }) : () -> ()
      %mul3A_133 = arith.constant 4 : i32
      %mul3A_134 = arith.muli %scan3A_60, %mul3A_133 : i32
      %add3A_135 = arith.constant 3 : i32
      %add3A_136 = arith.addi %mul3A_134, %add3A_135 : i32
      %add3A_137 = arith.constant 3 : i32
      %add3A_138 = arith.addi %add3A_136, %add3A_137 : i32
      %lt3A_139 = arith.constant 160 : i32
      %lt3A_140 = arith.cmpi slt, %add3A_138, %lt3A_139 : i32
      %convert_element_type3A_141 = arith.extui %lt3A_140 : i1 to i32
      %cond3A_142 = arith.constant 0 : i32
      %cond3A_143 = arith.cmpi ne, %convert_element_type3A_141, %cond3A_142 : i32
      scf.if %cond3A_143 {
        %dma_start3A_159 = arith.constant 0 : i32
        %dma_start3A_160 = tpu.memref_slice %arg6[%add3A_138, %dma_start3A_159] : memref<160x125xi32, #tpu.memory_space<vmem>> -> memref<1x125xi32, #tpu.memory_space<vmem>>
        %dma_start3A_161 = tpu.memref_squeeze %dma_start3A_160 : memref<1x125xi32, #tpu.memory_space<vmem>> -> memref<125xi32, #tpu.memory_space<vmem>>
        %dma_start3A_162 = arith.constant 0 : i32
        %dma_start3A_163 = arith.constant 0 : i32
        %dma_start3A_164 = tpu.memref_slice %arg2[%arg0, %dma_start3A_162, %dma_start3A_163] : memref<2x10000x64xf32, #tpu.memory_space<hbm>> -> memref<1x10000x64xf32, #tpu.memory_space<hbm>>
        %dma_start3A_165 = tpu.memref_squeeze %dma_start3A_164 : memref<1x10000x64xf32, #tpu.memory_space<hbm>> -> memref<10000x64xf32, #tpu.memory_space<hbm>>
        %dma_start3A_166 = arith.constant 0 : i32
        %dma_start3A_167 = arith.constant 0 : i32
        %dma_start3A_168 = tpu.memref_slice %dma_start3A_165[%dma_start3A_166, %dma_start3A_167] : memref<10000x64xf32, #tpu.memory_space<hbm>> -> memref<10000x64xf32, #tpu.memory_space<hbm>>
        tpu.enqueue_indirect_dma source(%dma_start3A_168 : memref<10000x64xf32, #tpu.memory_space<hbm>>) target(%arg12 : memref<125x64xf32, #tpu.memory_space<vmem>>) offsets(%dma_start3A_161 : memref<125xi32, #tpu.memory_space<vmem>>) semaphore(%arg16 : memref<!tpu.dma_semaphore, #tpu.memory_space<semaphore_mem>>)
      } else {
      }
      %dma_wait3A_144 = arith.constant 0 : i32
      %dma_wait3A_145 = arith.constant 0 : i32
      %dma_wait3A_146 = tpu.memref_slice %arg2[%arg0, %dma_wait3A_144, %dma_wait3A_145] : memref<2x10000x64xf32, #tpu.memory_space<hbm>> -> memref<1x10000x64xf32, #tpu.memory_space<hbm>>
      %dma_wait3A_147 = tpu.memref_squeeze %dma_wait3A_146 : memref<1x10000x64xf32, #tpu.memory_space<hbm>> -> memref<10000x64xf32, #tpu.memory_space<hbm>>
      %dma_wait3A_148 = arith.constant 0 : i32
      %dma_wait3A_149 = arith.constant 0 : i32
      %dma_wait3A_150 = tpu.memref_slice %dma_wait3A_147[%dma_wait3A_148, %dma_wait3A_149] : memref<10000x64xf32, #tpu.memory_space<hbm>> -> memref<125x64xf32, #tpu.memory_space<hbm>>
      %dma_wait3A_151 = arith.constant 0 : i32
      %dma_wait3A_152 = arith.constant 0 : i32
      %dma_wait3A_153 = tpu.memref_slice %arg2[%arg0, %dma_wait3A_151, %dma_wait3A_152] : memref<2x10000x64xf32, #tpu.memory_space<hbm>> -> memref<1x10000x64xf32, #tpu.memory_space<hbm>>
      %dma_wait3A_154 = tpu.memref_squeeze %dma_wait3A_153 : memref<1x10000x64xf32, #tpu.memory_space<hbm>> -> memref<10000x64xf32, #tpu.memory_space<hbm>>
      %dma_wait3A_155 = arith.constant 0 : i32
      %dma_wait3A_156 = arith.constant 0 : i32
      %dma_wait3A_157 = tpu.memref_slice %dma_wait3A_154[%dma_wait3A_155, %dma_wait3A_156] : memref<10000x64xf32, #tpu.memory_space<hbm>> -> memref<125x64xf32, #tpu.memory_space<hbm>>
      tpu.wait_dma2 semaphore(%arg17 : memref<!tpu.dma_semaphore, #tpu.memory_space<semaphore_mem>>) src(%dma_wait3A_157 : memref<125x64xf32, #tpu.memory_space<hbm>>) dst(%arg13 : memref<125x64xf32, #tpu.memory_space<vmem>>)
      "tpu.region"() ({
        %run_scoped3A = tpu.sem_alloc : memref<!tpu.dma_semaphore, #tpu.memory_space<semaphore_mem>>
        %dma_start3A_159 = arith.constant 0 : i32
        %dma_start3A_160 = tpu.memref_slice %arg7[%add3A_136, %dma_start3A_159] : memref<160x125xi32, #tpu.memory_space<vmem>> -> memref<1x125xi32, #tpu.memory_space<vmem>>
        %dma_start3A_161 = tpu.memref_squeeze %dma_start3A_160 : memref<1x125xi32, #tpu.memory_space<vmem>> -> memref<125xi32, #tpu.memory_space<vmem>>
        %dma_start3A_162 = arith.constant 0 : i32
        %dma_start3A_163 = arith.constant 0 : i32
        %dma_start3A_164 = tpu.memref_slice %arg9[%dma_start3A_162, %dma_start3A_163] : memref<10112x64xf32, #tpu.memory_space<vmem_shared>> -> memref<10112x64xf32, #tpu.memory_space<vmem_shared>>
        tpu.enqueue_indirect_dma source(%arg13 : memref<125x64xf32, #tpu.memory_space<vmem>>) target(%dma_start3A_164 : memref<10112x64xf32, #tpu.memory_space<vmem_shared>>) offsets(%dma_start3A_161 : memref<125xi32, #tpu.memory_space<vmem>>) semaphore(%run_scoped3A : memref<!tpu.dma_semaphore, #tpu.memory_space<semaphore_mem>>) {add = true}
        %dma_wait3A_165 = arith.constant 0 : i32
        %dma_wait3A_166 = tpu.memref_slice %arg7[%add3A_136, %dma_wait3A_165] : memref<160x125xi32, #tpu.memory_space<vmem>> -> memref<1x125xi32, #tpu.memory_space<vmem>>
        %dma_wait3A_167 = tpu.memref_squeeze %dma_wait3A_166 : memref<1x125xi32, #tpu.memory_space<vmem>> -> memref<125xi32, #tpu.memory_space<vmem>>
        %dma_wait3A_168 = arith.constant 0 : i32
        %dma_wait3A_169 = arith.constant 0 : i32
        %dma_wait3A_170 = tpu.memref_slice %arg9[%dma_wait3A_168, %dma_wait3A_169] : memref<10112x64xf32, #tpu.memory_space<vmem_shared>> -> memref<10112x64xf32, #tpu.memory_space<vmem_shared>>
        tpu.wait_indirect_dma semaphore(%run_scoped3A : memref<!tpu.dma_semaphore, #tpu.memory_space<semaphore_mem>>) src(%arg13 : memref<125x64xf32, #tpu.memory_space<vmem>>) dst(%dma_wait3A_170 : memref<10112x64xf32, #tpu.memory_space<vmem_shared>>)
        tpu.yield
      }) : () -> ()
      %scan3A_158 = arith.constant 0 : i32
      scf.yield %scan3A_158 : i32
    }
    %scan3A_55 = arith.constant 40 : i32
    %barrier3A_56 = arith.constant 0 : index
    tpu.barrier barrier_id(%barrier3A_56)
    %mul3A_57 = arith.constant 10112 : i32
    %mul3A_58 = arith.muli %arg0, %mul3A_57 : i32
    %add3A_59 = arith.addi %mul3A_58, %mul3A_7 : i32
    "tpu.region"() ({
      %run_scoped3A = tpu.sem_alloc : memref<!tpu.dma_semaphore, #tpu.memory_space<semaphore_mem>>
      %dma_start3A_60 = arith.constant 0 : i32
      %dma_start3A_61 = tpu.memref_slice %arg5[%add3A_59, %dma_start3A_60] : memref<20224x64xf32, #tpu.memory_space<hbm>> -> memref<632x64xf32, #tpu.memory_space<hbm>>
      %dma_start3A_62 = arith.constant 0 : i32
      %dma_start3A_63 = tpu.memref_slice %arg9[%mul3A_7, %dma_start3A_62] : memref<10112x64xf32, #tpu.memory_space<vmem_shared>> -> memref<632x64xf32, #tpu.memory_space<vmem_shared>>
      tpu.enqueue_dma source(%dma_start3A_63 : memref<632x64xf32, #tpu.memory_space<vmem_shared>>) target(%dma_start3A_61 : memref<632x64xf32, #tpu.memory_space<hbm>>) target_semaphore(%run_scoped3A : memref<!tpu.dma_semaphore, #tpu.memory_space<semaphore_mem>>)
      %dma_wait3A = arith.constant 0 : i32
      %dma_wait3A_64 = tpu.memref_slice %arg5[%add3A_59, %dma_wait3A] : memref<20224x64xf32, #tpu.memory_space<hbm>> -> memref<632x64xf32, #tpu.memory_space<hbm>>
      %dma_wait3A_65 = arith.constant 0 : i32
      %dma_wait3A_66 = tpu.memref_slice %arg9[%mul3A_7, %dma_wait3A_65] : memref<10112x64xf32, #tpu.memory_space<vmem_shared>> -> memref<632x64xf32, #tpu.memory_space<vmem_shared>>
      tpu.wait_dma2 semaphore(%run_scoped3A : memref<!tpu.dma_semaphore, #tpu.memory_space<semaphore_mem>>) src(%dma_wait3A_66 : memref<632x64xf32, #tpu.memory_space<vmem_shared>>) dst(%dma_wait3A_64 : memref<632x64xf32, #tpu.memory_space<hbm>>)
      tpu.yield
    }) : () -> ()
    return
  }
}

#map = affine_map<(d0, d1) -> (0)>
module attributes {stable_mosaic.version = 14 : i64} {
  func.func @_deg_sc(%arg0: i32, %arg1: i32, %arg2: memref<320000xi32, #tpu.memory_space<hbm>>, %arg3: memref<323584xf32, #tpu.memory_space<hbm>>, %arg4: memref<10000xi32, #tpu.memory_space<vmem>>, %arg5: memref<10112xf32, #tpu.memory_space<vmem>>) attributes {dimension_semantics = [#tpu.dimension_semantics<core_parallel>, #tpu.dimension_semantics<subcore_parallel>], iteration_bounds = array<i64: 2, 16>, scalar_prefetch = 0 : i64, scratch_operands = 2 : i64, tpu.core_type = #tpu.core_type<sc_vector_subcore>, window_params = [{transform_indices = #map}, {transform_indices = #map}]} {
    %mul3A = arith.constant 16 : i32
    %mul3A_0 = arith.muli %arg0, %mul3A : i32
    %add3A = arith.addi %mul3A_0, %arg1 : i32
    %broadcast_in_dim3A = arith.constant 0.000000e+00 : f32
    %broadcast_in_dim3A_1 = vector.broadcast %broadcast_in_dim3A : f32 to vector<16xf32>
    %scan3A = arith.constant 0 : i32
    %scan3A_2 = arith.constant 0 : i32
    %scan3A_3 = arith.constant 632 : i32
    %scan3A_4 = arith.addi %scan3A_2, %scan3A_3 : i32
    %scan3A_5 = arith.constant 1 : i32
    %scan3A_6 = scf.for %scan3A_21 = %scan3A_2 to %scan3A_4 step %scan3A_5 iter_args(%scan3A_22 = %scan3A) -> (i32)  : i32 {
      %mul3A_23 = arith.constant 16 : i32
      %mul3A_24 = arith.muli %scan3A_21, %mul3A_23 : i32
      %swap3A = arith.index_cast %mul3A_24 : i32 to index
      %swap3A_25 = tpu.vector_load %arg5[%swap3A] {strides = array<i32>} : memref<10112xf32, #tpu.memory_space<vmem>>, vector<16xf32>,
      tpu.vector_store %arg5[%swap3A], %broadcast_in_dim3A_1 {strides = array<i32>} : memref<10112xf32, #tpu.memory_space<vmem>>, vector<16xf32>,
      %scan3A_26 = arith.constant 0 : i32
      scf.yield %scan3A_26 : i32
    }
    %scan3A_7 = arith.constant 632 : i32
    %mul3A_8 = arith.constant 10000 : i32
    %mul3A_9 = arith.muli %add3A, %mul3A_8 : i32
    "tpu.region"() ({
      %run_scoped3A = tpu.sem_alloc : memref<!tpu.dma_semaphore, #tpu.memory_space<semaphore_mem>>
      %dma_start3A = tpu.memref_slice %arg2[%mul3A_9] : memref<320000xi32, #tpu.memory_space<hbm>> -> memref<10000xi32, #tpu.memory_space<hbm>>
      %dma_start3A_21 = tpu.memref_slice %arg2[%mul3A_9] : memref<320000xi32, #tpu.memory_space<hbm>> -> memref<10000xi32, #tpu.memory_space<hbm>>
      tpu.enqueue_dma source(%dma_start3A_21 : memref<10000xi32, #tpu.memory_space<hbm>>) target(%arg4 : memref<10000xi32, #tpu.memory_space<vmem>>) target_semaphore(%run_scoped3A : memref<!tpu.dma_semaphore, #tpu.memory_space<semaphore_mem>>)
      %dma_wait3A = tpu.memref_slice %arg2[%mul3A_9] : memref<320000xi32, #tpu.memory_space<hbm>> -> memref<10000xi32, #tpu.memory_space<hbm>>
      %dma_wait3A_22 = tpu.memref_slice %arg2[%mul3A_9] : memref<320000xi32, #tpu.memory_space<hbm>> -> memref<10000xi32, #tpu.memory_space<hbm>>
      tpu.wait_dma2 semaphore(%run_scoped3A : memref<!tpu.dma_semaphore, #tpu.memory_space<semaphore_mem>>) src(%dma_wait3A_22 : memref<10000xi32, #tpu.memory_space<hbm>>) dst(%arg4 : memref<10000xi32, #tpu.memory_space<vmem>>)
      tpu.yield
    }) : () -> ()
    %broadcast_in_dim3A_10 = arith.constant 1.000000e+00 : f32
    %broadcast_in_dim3A_11 = vector.broadcast %broadcast_in_dim3A_10 : f32 to vector<16xf32>
    %scan3A_12 = arith.constant 0 : i32
    %scan3A_13 = arith.constant 0 : i32
    %scan3A_14 = arith.constant 625 : i32
    %scan3A_15 = arith.addi %scan3A_13, %scan3A_14 : i32
    %scan3A_16 = arith.constant 1 : i32
    %scan3A_17 = scf.for %scan3A_21 = %scan3A_13 to %scan3A_15 step %scan3A_16 iter_args(%scan3A_22 = %scan3A_12) -> (i32)  : i32 {
      %mul3A_23 = arith.constant 16 : i32
      %mul3A_24 = arith.muli %scan3A_21, %mul3A_23 : i32
      %get3A = arith.index_cast %mul3A_24 : i32 to index
      %get3A_25 = tpu.vector_load %arg4[%get3A] {strides = array<i32>} : memref<10000xi32, #tpu.memory_space<vmem>>, vector<16xi32>,
      tpu.vector_store_idx %arg5[%get3A_25], %broadcast_in_dim3A_11 {add = true} : memref<10112xf32, #tpu.memory_space<vmem>>[vector<16xi32>], vector<16xf32>,
      %scan3A_26 = arith.constant 0 : i32
      scf.yield %scan3A_26 : i32
    }
    %scan3A_18 = arith.constant 625 : i32
    %mul3A_19 = arith.constant 10112 : i32
    %mul3A_20 = arith.muli %add3A, %mul3A_19 : i32
    "tpu.region"() ({
      %run_scoped3A = tpu.sem_alloc : memref<!tpu.dma_semaphore, #tpu.memory_space<semaphore_mem>>
      %dma_start3A = tpu.memref_slice %arg3[%mul3A_20] : memref<323584xf32, #tpu.memory_space<hbm>> -> memref<10112xf32, #tpu.memory_space<hbm>>
      %dma_start3A_21 = tpu.memref_slice %arg3[%mul3A_20] : memref<323584xf32, #tpu.memory_space<hbm>> -> memref<10112xf32, #tpu.memory_space<hbm>>
      tpu.enqueue_dma source(%arg5 : memref<10112xf32, #tpu.memory_space<vmem>>) target(%dma_start3A_21 : memref<10112xf32, #tpu.memory_space<hbm>>) target_semaphore(%run_scoped3A : memref<!tpu.dma_semaphore, #tpu.memory_space<semaphore_mem>>)
      %dma_wait3A = tpu.memref_slice %arg3[%mul3A_20] : memref<323584xf32, #tpu.memory_space<hbm>> -> memref<10112xf32, #tpu.memory_space<hbm>>
      %dma_wait3A_22 = tpu.memref_slice %arg3[%mul3A_20] : memref<323584xf32, #tpu.memory_space<hbm>> -> memref<10112xf32, #tpu.memory_space<hbm>>
      tpu.wait_dma2 semaphore(%run_scoped3A : memref<!tpu.dma_semaphore, #tpu.memory_space<semaphore_mem>>) src(%arg5 : memref<10112xf32, #tpu.memory_space<vmem>>) dst(%dma_wait3A_22 : memref<10112xf32, #tpu.memory_space<hbm>>)
      tpu.yield
    }) : () -> ()
    return
  }
}

#map = affine_map<(d0, d1) -> (0, 0, 0)>
#map1 = affine_map<(d0, d1) -> (0, 0)>
module attributes {stable_mosaic.version = 14 : i64} {
  func.func @_agg_sc(%arg0: i32, %arg1: i32, %arg2: memref<2x10000x64xf32, #tpu.memory_space<hbm>>, %arg3: memref<16x160x125xi32, #tpu.memory_space<hbm>>, %arg4: memref<16x160x125xi32, #tpu.memory_space<hbm>>, %arg5: memref<20224x64xf32, #tpu.memory_space<hbm>>, %arg6: memref<160x125xi32, #tpu.memory_space<vmem>>, %arg7: memref<160x125xi32, #tpu.memory_space<vmem>>, %arg8: memref<128x64xf32, #tpu.memory_space<vmem>>, %arg9: memref<10112x64xf32, #tpu.memory_space<vmem_shared>>, %arg10: memref<125x64xf32, #tpu.memory_space<vmem>>, %arg11: memref<125x64xf32, #tpu.memory_space<vmem>>, %arg12: memref<125x64xf32, #tpu.memory_space<vmem>>, %arg13: memref<125x64xf32, #tpu.memory_space<vmem>>, %arg14: memref<!tpu.dma_semaphore, #tpu.memory_space<semaphore_mem>>, %arg15: memref<!tpu.dma_semaphore, #tpu.memory_space<semaphore_mem>>, %arg16: memref<!tpu.dma_semaphore, #tpu.memory_space<semaphore_mem>>, %arg17: memref<!tpu.dma_semaphore, #tpu.memory_space<semaphore_mem>>) attributes {dimension_semantics = [#tpu.dimension_semantics<core_parallel>, #tpu.dimension_semantics<subcore_parallel>], iteration_bounds = array<i64: 2, 16>, scalar_prefetch = 0 : i64, scratch_operands = 12 : i64, tpu.core_type = #tpu.core_type<sc_vector_subcore>, window_params = [{transform_indices = #map}, {transform_indices = #map}, {transform_indices = #map}, {transform_indices = #map1}]} {
    %broadcast_in_dim3A = arith.constant 0.000000e+00 : f32
    %broadcast_in_dim3A_0 = vector.broadcast %broadcast_in_dim3A : f32 to vector<16xf32>
    %scan3A = arith.constant 0 : i32
    %scan3A_1 = arith.constant 0 : i32
    %scan3A_2 = arith.constant 512 : i32
    %scan3A_3 = arith.addi %scan3A_1, %scan3A_2 : i32
    %scan3A_4 = arith.constant 1 : i32
    %scan3A_5 = scf.for %scan3A_60 = %scan3A_1 to %scan3A_3 step %scan3A_4 iter_args(%scan3A_61 = %scan3A) -> (i32)  : i32 {
      %jit3A = arith.constant 4 : i32
      %div3A = arith.divsi %scan3A_60, %jit3A : i32
      %sign3A = arith.constant 0 : i32
      %sign3A_62 = arith.cmpi sgt, %scan3A_60, %sign3A : i32
      %sign3A_63 = arith.extui %sign3A_62 : i1 to i32
      %sign3A_64 = arith.constant 0 : i32
      %sign3A_65 = arith.cmpi slt, %scan3A_60, %sign3A_64 : i32
      %sign3A_66 = arith.extui %sign3A_65 : i1 to i32
      %sign3A_67 = arith.subi %sign3A_63, %sign3A_66 : i32
      %sign3A_68 = arith.constant 0 : i32
      %sign3A_69 = arith.cmpi sgt, %jit3A, %sign3A_68 : i32
      %sign3A_70 = arith.extui %sign3A_69 : i1 to i32
      %sign3A_71 = arith.constant 0 : i32
      %sign3A_72 = arith.cmpi slt, %jit3A, %sign3A_71 : i32
      %sign3A_73 = arith.extui %sign3A_72 : i1 to i32
      %sign3A_74 = arith.subi %sign3A_70, %sign3A_73 : i32
      %ne3A = arith.cmpi ne, %sign3A_67, %sign3A_74 : i32
      %rem3A = arith.remsi %scan3A_60, %jit3A : i32
      %ne3A_75 = arith.constant 0 : i32
      %ne3A_76 = arith.cmpi ne, %rem3A, %ne3A_75 : i32
      %and3A = arith.andi %ne3A, %ne3A_76 : i1
      %sub3A = arith.constant 1 : i32
      %sub3A_77 = arith.subi %div3A, %sub3A : i32
      %select_n3A = arith.select %and3A, %sub3A_77, %div3A : i32
      %jit3A_78 = arith.constant 4 : i32
      %eq3A = arith.constant 0 : i32
      %eq3A_79 = arith.cmpi eq, %jit3A_78, %eq3A : i32
      %jit3A_80 = arith.constant 1 : i32
      %select_n3A_81 = arith.select %eq3A_79, %jit3A_80, %jit3A_78 : i32
      %rem3A_82 = arith.remsi %scan3A_60, %select_n3A_81 : i32
      %ne3A_83 = arith.constant 0 : i32
      %ne3A_84 = arith.cmpi ne, %rem3A_82, %ne3A_83 : i32
      %lt3A = arith.constant 0 : i32
      %lt3A_85 = arith.cmpi slt, %rem3A_82, %lt3A : i32
      %lt3A_86 = arith.constant 0 : i32
      %lt3A_87 = arith.cmpi slt, %select_n3A_81, %lt3A_86 : i32
      %ne3A_88 = arith.xori %lt3A_85, %lt3A_87 : i1
      %and3A_89 = arith.andi %ne3A_88, %ne3A_84 : i1
      %add3A_90 = arith.addi %rem3A_82, %select_n3A_81 : i32
      %select_n3A_91 = arith.select %and3A_89, %add3A_90, %rem3A_82 : i32
      %mul3A_92 = arith.constant 16 : i32
      %mul3A_93 = arith.muli %select_n3A_91, %mul3A_92 : i32
      %swap3A = arith.index_cast %select_n3A : i32 to index
      %swap3A_94 = arith.index_cast %mul3A_93 : i32 to index
      %swap3A_95 = tpu.vector_load %arg8[%swap3A, %swap3A_94] {strides = array<i32>} : memref<128x64xf32, #tpu.memory_space<vmem>>, vector<16xf32>,
      tpu.vector_store %arg8[%swap3A, %swap3A_94], %broadcast_in_dim3A_0 {strides = array<i32>} : memref<128x64xf32, #tpu.memory_space<vmem>>, vector<16xf32>,
      %scan3A_96 = arith.constant 0 : i32
      scf.yield %scan3A_96 : i32
    }
    %scan3A_6 = arith.constant 512 : i32
    %mul3A = arith.constant 632 : i32
    %mul3A_7 = arith.muli %arg1, %mul3A : i32
    %add3A = arith.constant 0 : i32
    %add3A_8 = arith.addi %mul3A_7, %add3A : i32
    "tpu.region"() ({
      %run_scoped3A = tpu.sem_alloc : memref<!tpu.dma_semaphore, #tpu.memory_space<semaphore_mem>>
      %dma_start3A_60 = arith.constant 0 : i32
      %dma_start3A_61 = tpu.memref_slice %arg9[%add3A_8, %dma_start3A_60] : memref<10112x64xf32, #tpu.memory_space<vmem_shared>> -> memref<128x64xf32, #tpu.memory_space<vmem_shared>>
      %dma_start3A_62 = arith.constant 0 : i32
      %dma_start3A_63 = tpu.memref_slice %arg9[%add3A_8, %dma_start3A_62] : memref<10112x64xf32, #tpu.memory_space<vmem_shared>> -> memref<128x64xf32, #tpu.memory_space<vmem_shared>>
      tpu.enqueue_dma source(%arg8 : memref<128x64xf32, #tpu.memory_space<vmem>>) target(%dma_start3A_63 : memref<128x64xf32, #tpu.memory_space<vmem_shared>>) target_semaphore(%run_scoped3A : memref<!tpu.dma_semaphore, #tpu.memory_space<semaphore_mem>>)
      %dma_wait3A = arith.constant 0 : i32
      %dma_wait3A_64 = tpu.memref_slice %arg9[%add3A_8, %dma_wait3A] : memref<10112x64xf32, #tpu.memory_space<vmem_shared>> -> memref<128x64xf32, #tpu.memory_space<vmem_shared>>
      %dma_wait3A_65 = arith.constant 0 : i32
      %dma_wait3A_66 = tpu.memref_slice %arg9[%add3A_8, %dma_wait3A_65] : memref<10112x64xf32, #tpu.memory_space<vmem_shared>> -> memref<128x64xf32, #tpu.memory_space<vmem_shared>>
      tpu.wait_dma2 semaphore(%run_scoped3A : memref<!tpu.dma_semaphore, #tpu.memory_space<semaphore_mem>>) src(%arg8 : memref<128x64xf32, #tpu.memory_space<vmem>>) dst(%dma_wait3A_66 : memref<128x64xf32, #tpu.memory_space<vmem_shared>>)
      tpu.yield
    }) : () -> ()
    %add3A_9 = arith.constant 128 : i32
    %add3A_10 = arith.addi %mul3A_7, %add3A_9 : i32
    "tpu.region"() ({
      %run_scoped3A = tpu.sem_alloc : memref<!tpu.dma_semaphore, #tpu.memory_space<semaphore_mem>>
      %dma_start3A_60 = arith.constant 0 : i32
      %dma_start3A_61 = tpu.memref_slice %arg9[%add3A_10, %dma_start3A_60] : memref<10112x64xf32, #tpu.memory_space<vmem_shared>> -> memref<128x64xf32, #tpu.memory_space<vmem_shared>>
      %dma_start3A_62 = arith.constant 0 : i32
      %dma_start3A_63 = tpu.memref_slice %arg9[%add3A_10, %dma_start3A_62] : memref<10112x64xf32, #tpu.memory_space<vmem_shared>> -> memref<128x64xf32, #tpu.memory_space<vmem_shared>>
      tpu.enqueue_dma source(%arg8 : memref<128x64xf32, #tpu.memory_space<vmem>>) target(%dma_start3A_63 : memref<128x64xf32, #tpu.memory_space<vmem_shared>>) target_semaphore(%run_scoped3A : memref<!tpu.dma_semaphore, #tpu.memory_space<semaphore_mem>>)
      %dma_wait3A = arith.constant 0 : i32
      %dma_wait3A_64 = tpu.memref_slice %arg9[%add3A_10, %dma_wait3A] : memref<10112x64xf32, #tpu.memory_space<vmem_shared>> -> memref<128x64xf32, #tpu.memory_space<vmem_shared>>
      %dma_wait3A_65 = arith.constant 0 : i32
      %dma_wait3A_66 = tpu.memref_slice %arg9[%add3A_10, %dma_wait3A_65] : memref<10112x64xf32, #tpu.memory_space<vmem_shared>> -> memref<128x64xf32, #tpu.memory_space<vmem_shared>>
      tpu.wait_dma2 semaphore(%run_scoped3A : memref<!tpu.dma_semaphore, #tpu.memory_space<semaphore_mem>>) src(%arg8 : memref<128x64xf32, #tpu.memory_space<vmem>>) dst(%dma_wait3A_66 : memref<128x64xf32, #tpu.memory_space<vmem_shared>>)
      tpu.yield
    }) : () -> ()
    %add3A_11 = arith.constant 256 : i32
    %add3A_12 = arith.addi %mul3A_7, %add3A_11 : i32
    "tpu.region"() ({
      %run_scoped3A = tpu.sem_alloc : memref<!tpu.dma_semaphore, #tpu.memory_space<semaphore_mem>>
      %dma_start3A_60 = arith.constant 0 : i32
      %dma_start3A_61 = tpu.memref_slice %arg9[%add3A_12, %dma_start3A_60] : memref<10112x64xf32, #tpu.memory_space<vmem_shared>> -> memref<128x64xf32, #tpu.memory_space<vmem_shared>>
      %dma_start3A_62 = arith.constant 0 : i32
      %dma_start3A_63 = tpu.memref_slice %arg9[%add3A_12, %dma_start3A_62] : memref<10112x64xf32, #tpu.memory_space<vmem_shared>> -> memref<128x64xf32, #tpu.memory_space<vmem_shared>>
      tpu.enqueue_dma source(%arg8 : memref<128x64xf32, #tpu.memory_space<vmem>>) target(%dma_start3A_63 : memref<128x64xf32, #tpu.memory_space<vmem_shared>>) target_semaphore(%run_scoped3A : memref<!tpu.dma_semaphore, #tpu.memory_space<semaphore_mem>>)
      %dma_wait3A = arith.constant 0 : i32
      %dma_wait3A_64 = tpu.memref_slice %arg9[%add3A_12, %dma_wait3A] : memref<10112x64xf32, #tpu.memory_space<vmem_shared>> -> memref<128x64xf32, #tpu.memory_space<vmem_shared>>
      %dma_wait3A_65 = arith.constant 0 : i32
      %dma_wait3A_66 = tpu.memref_slice %arg9[%add3A_12, %dma_wait3A_65] : memref<10112x64xf32, #tpu.memory_space<vmem_shared>> -> memref<128x64xf32, #tpu.memory_space<vmem_shared>>
      tpu.wait_dma2 semaphore(%run_scoped3A : memref<!tpu.dma_semaphore, #tpu.memory_space<semaphore_mem>>) src(%arg8 : memref<128x64xf32, #tpu.memory_space<vmem>>) dst(%dma_wait3A_66 : memref<128x64xf32, #tpu.memory_space<vmem_shared>>)
      tpu.yield
    }) : () -> ()
    %add3A_13 = arith.constant 384 : i32
    %add3A_14 = arith.addi %mul3A_7, %add3A_13 : i32
    "tpu.region"() ({
      %run_scoped3A = tpu.sem_alloc : memref<!tpu.dma_semaphore, #tpu.memory_space<semaphore_mem>>
      %dma_start3A_60 = arith.constant 0 : i32
      %dma_start3A_61 = tpu.memref_slice %arg9[%add3A_14, %dma_start3A_60] : memref<10112x64xf32, #tpu.memory_space<vmem_shared>> -> memref<128x64xf32, #tpu.memory_space<vmem_shared>>
      %dma_start3A_62 = arith.constant 0 : i32
      %dma_start3A_63 = tpu.memref_slice %arg9[%add3A_14, %dma_start3A_62] : memref<10112x64xf32, #tpu.memory_space<vmem_shared>> -> memref<128x64xf32, #tpu.memory_space<vmem_shared>>
      tpu.enqueue_dma source(%arg8 : memref<128x64xf32, #tpu.memory_space<vmem>>) target(%dma_start3A_63 : memref<128x64xf32, #tpu.memory_space<vmem_shared>>) target_semaphore(%run_scoped3A : memref<!tpu.dma_semaphore, #tpu.memory_space<semaphore_mem>>)
      %dma_wait3A = arith.constant 0 : i32
      %dma_wait3A_64 = tpu.memref_slice %arg9[%add3A_14, %dma_wait3A] : memref<10112x64xf32, #tpu.memory_space<vmem_shared>> -> memref<128x64xf32, #tpu.memory_space<vmem_shared>>
      %dma_wait3A_65 = arith.constant 0 : i32
      %dma_wait3A_66 = tpu.memref_slice %arg9[%add3A_14, %dma_wait3A_65] : memref<10112x64xf32, #tpu.memory_space<vmem_shared>> -> memref<128x64xf32, #tpu.memory_space<vmem_shared>>
      tpu.wait_dma2 semaphore(%run_scoped3A : memref<!tpu.dma_semaphore, #tpu.memory_space<semaphore_mem>>) src(%arg8 : memref<128x64xf32, #tpu.memory_space<vmem>>) dst(%dma_wait3A_66 : memref<128x64xf32, #tpu.memory_space<vmem_shared>>)
      tpu.yield
    }) : () -> ()
    %add3A_15 = arith.constant 512 : i32
    %add3A_16 = arith.addi %mul3A_7, %add3A_15 : i32
    "tpu.region"() ({
      %run_scoped3A = tpu.sem_alloc : memref<!tpu.dma_semaphore, #tpu.memory_space<semaphore_mem>>
      %dma_start3A_60 = arith.constant 0 : i32
      %dma_start3A_61 = arith.constant 0 : i32
      %dma_start3A_62 = tpu.memref_slice %arg8[%dma_start3A_60, %dma_start3A_61] : memref<128x64xf32, #tpu.memory_space<vmem>> -> memref<120x64xf32, #tpu.memory_space<vmem>>
      %dma_start3A_63 = arith.constant 0 : i32
      %dma_start3A_64 = tpu.memref_slice %arg9[%add3A_16, %dma_start3A_63] : memref<10112x64xf32, #tpu.memory_space<vmem_shared>> -> memref<120x64xf32, #tpu.memory_space<vmem_shared>>
      %dma_start3A_65 = arith.constant 0 : i32
      %dma_start3A_66 = tpu.memref_slice %arg9[%add3A_16, %dma_start3A_65] : memref<10112x64xf32, #tpu.memory_space<vmem_shared>> -> memref<120x64xf32, #tpu.memory_space<vmem_shared>>
      %dma_start3A_67 = arith.constant 0 : i32
      %dma_start3A_68 = arith.constant 0 : i32
      %dma_start3A_69 = tpu.memref_slice %arg8[%dma_start3A_67, %dma_start3A_68] : memref<128x64xf32, #tpu.memory_space<vmem>> -> memref<120x64xf32, #tpu.memory_space<vmem>>
      tpu.enqueue_dma source(%dma_start3A_69 : memref<120x64xf32, #tpu.memory_space<vmem>>) target(%dma_start3A_66 : memref<120x64xf32, #tpu.memory_space<vmem_shared>>) target_semaphore(%run_scoped3A : memref<!tpu.dma_semaphore, #tpu.memory_space<semaphore_mem>>)
      %dma_wait3A = arith.constant 0 : i32
      %dma_wait3A_70 = arith.constant 0 : i32
      %dma_wait3A_71 = tpu.memref_slice %arg8[%dma_wait3A, %dma_wait3A_70] : memref<128x64xf32, #tpu.memory_space<vmem>> -> memref<120x64xf32, #tpu.memory_space<vmem>>
      %dma_wait3A_72 = arith.constant 0 : i32
      %dma_wait3A_73 = tpu.memref_slice %arg9[%add3A_16, %dma_wait3A_72] : memref<10112x64xf32, #tpu.memory_space<vmem_shared>> -> memref<120x64xf32, #tpu.memory_space<vmem_shared>>
      %dma_wait3A_74 = arith.constant 0 : i32
      %dma_wait3A_75 = tpu.memref_slice %arg9[%add3A_16, %dma_wait3A_74] : memref<10112x64xf32, #tpu.memory_space<vmem_shared>> -> memref<120x64xf32, #tpu.memory_space<vmem_shared>>
      %dma_wait3A_76 = arith.constant 0 : i32
      %dma_wait3A_77 = arith.constant 0 : i32
      %dma_wait3A_78 = tpu.memref_slice %arg8[%dma_wait3A_76, %dma_wait3A_77] : memref<128x64xf32, #tpu.memory_space<vmem>> -> memref<120x64xf32, #tpu.memory_space<vmem>>
      tpu.wait_dma2 semaphore(%run_scoped3A : memref<!tpu.dma_semaphore, #tpu.memory_space<semaphore_mem>>) src(%dma_wait3A_78 : memref<120x64xf32, #tpu.memory_space<vmem>>) dst(%dma_wait3A_75 : memref<120x64xf32, #tpu.memory_space<vmem_shared>>)
      tpu.yield
    }) : () -> ()
    %barrier3A = arith.constant 0 : index
    tpu.barrier barrier_id(%barrier3A)
    "tpu.region"() ({
      %run_scoped3A = tpu.sem_alloc : memref<!tpu.dma_semaphore, #tpu.memory_space<semaphore_mem>>
      %dma_start3A_60 = arith.constant 0 : i32
      %dma_start3A_61 = arith.constant 0 : i32
      %dma_start3A_62 = tpu.memref_slice %arg3[%arg1, %dma_start3A_60, %dma_start3A_61] : memref<16x160x125xi32, #tpu.memory_space<hbm>> -> memref<1x160x125xi32, #tpu.memory_space<hbm>>
      %dma_start3A_63 = tpu.memref_squeeze %dma_start3A_62 : memref<1x160x125xi32, #tpu.memory_space<hbm>> -> memref<160x125xi32, #tpu.memory_space<hbm>>
      %dma_start3A_64 = arith.constant 0 : i32
      %dma_start3A_65 = arith.constant 0 : i32
      %dma_start3A_66 = tpu.memref_slice %arg3[%arg1, %dma_start3A_64, %dma_start3A_65] : memref<16x160x125xi32, #tpu.memory_space<hbm>> -> memref<1x160x125xi32, #tpu.memory_space<hbm>>
      %dma_start3A_67 = tpu.memref_squeeze %dma_start3A_66 : memref<1x160x125xi32, #tpu.memory_space<hbm>> -> memref<160x125xi32, #tpu.memory_space<hbm>>
      tpu.enqueue_dma source(%dma_start3A_67 : memref<160x125xi32, #tpu.memory_space<hbm>>) target(%arg6 : memref<160x125xi32, #tpu.memory_space<vmem>>) target_semaphore(%run_scoped3A : memref<!tpu.dma_semaphore, #tpu.memory_space<semaphore_mem>>)
      %dma_wait3A = arith.constant 0 : i32
      %dma_wait3A_68 = arith.constant 0 : i32
      %dma_wait3A_69 = tpu.memref_slice %arg3[%arg1, %dma_wait3A, %dma_wait3A_68] : memref<16x160x125xi32, #tpu.memory_space<hbm>> -> memref<1x160x125xi32, #tpu.memory_space<hbm>>
      %dma_wait3A_70 = tpu.memref_squeeze %dma_wait3A_69 : memref<1x160x125xi32, #tpu.memory_space<hbm>> -> memref<160x125xi32, #tpu.memory_space<hbm>>
      %dma_wait3A_71 = arith.constant 0 : i32
      %dma_wait3A_72 = arith.constant 0 : i32
      %dma_wait3A_73 = tpu.memref_slice %arg3[%arg1, %dma_wait3A_71, %dma_wait3A_72] : memref<16x160x125xi32, #tpu.memory_space<hbm>> -> memref<1x160x125xi32, #tpu.memory_space<hbm>>
      %dma_wait3A_74 = tpu.memref_squeeze %dma_wait3A_73 : memref<1x160x125xi32, #tpu.memory_space<hbm>> -> memref<160x125xi32, #tpu.memory_space<hbm>>
      tpu.wait_dma2 semaphore(%run_scoped3A : memref<!tpu.dma_semaphore, #tpu.memory_space<semaphore_mem>>) src(%dma_wait3A_74 : memref<160x125xi32, #tpu.memory_space<hbm>>) dst(%arg6 : memref<160x125xi32, #tpu.memory_space<vmem>>)
      tpu.yield
    }) : () -> ()
    "tpu.region"() ({
      %run_scoped3A = tpu.sem_alloc : memref<!tpu.dma_semaphore, #tpu.memory_space<semaphore_mem>>
      %dma_start3A_60 = arith.constant 0 : i32
      %dma_start3A_61 = arith.constant 0 : i32
      %dma_start3A_62 = tpu.memref_slice %arg4[%arg1, %dma_start3A_60, %dma_start3A_61] : memref<16x160x125xi32, #tpu.memory_space<hbm>> -> memref<1x160x125xi32, #tpu.memory_space<hbm>>
      %dma_start3A_63 = tpu.memref_squeeze %dma_start3A_62 : memref<1x160x125xi32, #tpu.memory_space<hbm>> -> memref<160x125xi32, #tpu.memory_space<hbm>>
      %dma_start3A_64 = arith.constant 0 : i32
      %dma_start3A_65 = arith.constant 0 : i32
      %dma_start3A_66 = tpu.memref_slice %arg4[%arg1, %dma_start3A_64, %dma_start3A_65] : memref<16x160x125xi32, #tpu.memory_space<hbm>> -> memref<1x160x125xi32, #tpu.memory_space<hbm>>
      %dma_start3A_67 = tpu.memref_squeeze %dma_start3A_66 : memref<1x160x125xi32, #tpu.memory_space<hbm>> -> memref<160x125xi32, #tpu.memory_space<hbm>>
      tpu.enqueue_dma source(%dma_start3A_67 : memref<160x125xi32, #tpu.memory_space<hbm>>) target(%arg7 : memref<160x125xi32, #tpu.memory_space<vmem>>) target_semaphore(%run_scoped3A : memref<!tpu.dma_semaphore, #tpu.memory_space<semaphore_mem>>)
      %dma_wait3A = arith.constant 0 : i32
      %dma_wait3A_68 = arith.constant 0 : i32
      %dma_wait3A_69 = tpu.memref_slice %arg4[%arg1, %dma_wait3A, %dma_wait3A_68] : memref<16x160x125xi32, #tpu.memory_space<hbm>> -> memref<1x160x125xi32, #tpu.memory_space<hbm>>
      %dma_wait3A_70 = tpu.memref_squeeze %dma_wait3A_69 : memref<1x160x125xi32, #tpu.memory_space<hbm>> -> memref<160x125xi32, #tpu.memory_space<hbm>>
      %dma_wait3A_71 = arith.constant 0 : i32
      %dma_wait3A_72 = arith.constant 0 : i32
      %dma_wait3A_73 = tpu.memref_slice %arg4[%arg1, %dma_wait3A_71, %dma_wait3A_72] : memref<16x160x125xi32, #tpu.memory_space<hbm>> -> memref<1x160x125xi32, #tpu.memory_space<hbm>>
      %dma_wait3A_74 = tpu.memref_squeeze %dma_wait3A_73 : memref<1x160x125xi32, #tpu.memory_space<hbm>> -> memref<160x125xi32, #tpu.memory_space<hbm>>
      tpu.wait_dma2 semaphore(%run_scoped3A : memref<!tpu.dma_semaphore, #tpu.memory_space<semaphore_mem>>) src(%dma_wait3A_74 : memref<160x125xi32, #tpu.memory_space<hbm>>) dst(%arg7 : memref<160x125xi32, #tpu.memory_space<vmem>>)
      tpu.yield
    }) : () -> ()
    %dma_start3A = arith.constant 0 : i32
    %dma_start3A_17 = arith.constant 0 : i32
    %dma_start3A_18 = tpu.memref_slice %arg6[%dma_start3A, %dma_start3A_17] : memref<160x125xi32, #tpu.memory_space<vmem>> -> memref<1x125xi32, #tpu.memory_space<vmem>>
    %dma_start3A_19 = tpu.memref_squeeze %dma_start3A_18 : memref<1x125xi32, #tpu.memory_space<vmem>> -> memref<125xi32, #tpu.memory_space<vmem>>
    %dma_start3A_20 = arith.constant 0 : i32
    %dma_start3A_21 = arith.constant 0 : i32
    %dma_start3A_22 = tpu.memref_slice %arg2[%arg0, %dma_start3A_20, %dma_start3A_21] : memref<2x10000x64xf32, #tpu.memory_space<hbm>> -> memref<1x10000x64xf32, #tpu.memory_space<hbm>>
    %dma_start3A_23 = tpu.memref_squeeze %dma_start3A_22 : memref<1x10000x64xf32, #tpu.memory_space<hbm>> -> memref<10000x64xf32, #tpu.memory_space<hbm>>
    %dma_start3A_24 = arith.constant 0 : i32
    %dma_start3A_25 = arith.constant 0 : i32
    %dma_start3A_26 = tpu.memref_slice %dma_start3A_23[%dma_start3A_24, %dma_start3A_25] : memref<10000x64xf32, #tpu.memory_space<hbm>> -> memref<10000x64xf32, #tpu.memory_space<hbm>>
    tpu.enqueue_indirect_dma source(%dma_start3A_26 : memref<10000x64xf32, #tpu.memory_space<hbm>>) target(%arg10 : memref<125x64xf32, #tpu.memory_space<vmem>>) offsets(%dma_start3A_19 : memref<125xi32, #tpu.memory_space<vmem>>) semaphore(%arg14 : memref<!tpu.dma_semaphore, #tpu.memory_space<semaphore_mem>>)
    %dma_start3A_27 = arith.constant 1 : i32
    %dma_start3A_28 = arith.constant 0 : i32
    %dma_start3A_29 = tpu.memref_slice %arg6[%dma_start3A_27, %dma_start3A_28] : memref<160x125xi32, #tpu.memory_space<vmem>> -> memref<1x125xi32, #tpu.memory_space<vmem>>
    %dma_start3A_30 = tpu.memref_squeeze %dma_start3A_29 : memref<1x125xi32, #tpu.memory_space<vmem>> -> memref<125xi32, #tpu.memory_space<vmem>>
    %dma_start3A_31 = arith.constant 0 : i32
    %dma_start3A_32 = arith.constant 0 : i32
    %dma_start3A_33 = tpu.memref_slice %arg2[%arg0, %dma_start3A_31, %dma_start3A_32] : memref<2x10000x64xf32, #tpu.memory_space<hbm>> -> memref<1x10000x64xf32, #tpu.memory_space<hbm>>
    %dma_start3A_34 = tpu.memref_squeeze %dma_start3A_33 : memref<1x10000x64xf32, #tpu.memory_space<hbm>> -> memref<10000x64xf32, #tpu.memory_space<hbm>>
    %dma_start3A_35 = arith.constant 0 : i32
    %dma_start3A_36 = arith.constant 0 : i32
    %dma_start3A_37 = tpu.memref_slice %dma_start3A_34[%dma_start3A_35, %dma_start3A_36] : memref<10000x64xf32, #tpu.memory_space<hbm>> -> memref<10000x64xf32, #tpu.memory_space<hbm>>
    tpu.enqueue_indirect_dma source(%dma_start3A_37 : memref<10000x64xf32, #tpu.memory_space<hbm>>) target(%arg11 : memref<125x64xf32, #tpu.memory_space<vmem>>) offsets(%dma_start3A_30 : memref<125xi32, #tpu.memory_space<vmem>>) semaphore(%arg15 : memref<!tpu.dma_semaphore, #tpu.memory_space<semaphore_mem>>)
    %dma_start3A_38 = arith.constant 2 : i32
    %dma_start3A_39 = arith.constant 0 : i32
    %dma_start3A_40 = tpu.memref_slice %arg6[%dma_start3A_38, %dma_start3A_39] : memref<160x125xi32, #tpu.memory_space<vmem>> -> memref<1x125xi32, #tpu.memory_space<vmem>>
    %dma_start3A_41 = tpu.memref_squeeze %dma_start3A_40 : memref<1x125xi32, #tpu.memory_space<vmem>> -> memref<125xi32, #tpu.memory_space<vmem>>
    %dma_start3A_42 = arith.constant 0 : i32
    %dma_start3A_43 = arith.constant 0 : i32
    %dma_start3A_44 = tpu.memref_slice %arg2[%arg0, %dma_start3A_42, %dma_start3A_43] : memref<2x10000x64xf32, #tpu.memory_space<hbm>> -> memref<1x10000x64xf32, #tpu.memory_space<hbm>>
    %dma_start3A_45 = tpu.memref_squeeze %dma_start3A_44 : memref<1x10000x64xf32, #tpu.memory_space<hbm>> -> memref<10000x64xf32, #tpu.memory_space<hbm>>
    %dma_start3A_46 = arith.constant 0 : i32
    %dma_start3A_47 = arith.constant 0 : i32
    %dma_start3A_48 = tpu.memref_slice %dma_start3A_45[%dma_start3A_46, %dma_start3A_47] : memref<10000x64xf32, #tpu.memory_space<hbm>> -> memref<10000x64xf32, #tpu.memory_space<hbm>>
    tpu.enqueue_indirect_dma source(%dma_start3A_48 : memref<10000x64xf32, #tpu.memory_space<hbm>>) target(%arg12 : memref<125x64xf32, #tpu.memory_space<vmem>>) offsets(%dma_start3A_41 : memref<125xi32, #tpu.memory_space<vmem>>) semaphore(%arg16 : memref<!tpu.dma_semaphore, #tpu.memory_space<semaphore_mem>>)
    %scan3A_49 = arith.constant 0 : i32
    %scan3A_50 = arith.constant 0 : i32
    %scan3A_51 = arith.constant 40 : i32
    %scan3A_52 = arith.addi %scan3A_50, %scan3A_51 : i32
    %scan3A_53 = arith.constant 1 : i32
    %scan3A_54 = scf.for %scan3A_60 = %scan3A_50 to %scan3A_52 step %scan3A_53 iter_args(%scan3A_61 = %scan3A_49) -> (i32)  : i32 {
      %mul3A_62 = arith.constant 4 : i32
      %mul3A_63 = arith.muli %scan3A_60, %mul3A_62 : i32
      %add3A_64 = arith.constant 0 : i32
      %add3A_65 = arith.addi %mul3A_63, %add3A_64 : i32
      %add3A_66 = arith.constant 3 : i32
      %add3A_67 = arith.addi %add3A_65, %add3A_66 : i32
      %lt3A = arith.constant 160 : i32
      %lt3A_68 = arith.cmpi slt, %add3A_67, %lt3A : i32
      %convert_element_type3A = arith.extui %lt3A_68 : i1 to i32
      %cond3A = arith.constant 0 : i32
      %cond3A_69 = arith.cmpi ne, %convert_element_type3A, %cond3A : i32
      scf.if %cond3A_69 {
        %dma_start3A_159 = arith.constant 0 : i32
        %dma_start3A_160 = tpu.memref_slice %arg6[%add3A_67, %dma_start3A_159] : memref<160x125xi32, #tpu.memory_space<vmem>> -> memref<1x125xi32, #tpu.memory_space<vmem>>
        %dma_start3A_161 = tpu.memref_squeeze %dma_start3A_160 : memref<1x125xi32, #tpu.memory_space<vmem>> -> memref<125xi32, #tpu.memory_space<vmem>>
        %dma_start3A_162 = arith.constant 0 : i32
        %dma_start3A_163 = arith.constant 0 : i32
        %dma_start3A_164 = tpu.memref_slice %arg2[%arg0, %dma_start3A_162, %dma_start3A_163] : memref<2x10000x64xf32, #tpu.memory_space<hbm>> -> memref<1x10000x64xf32, #tpu.memory_space<hbm>>
        %dma_start3A_165 = tpu.memref_squeeze %dma_start3A_164 : memref<1x10000x64xf32, #tpu.memory_space<hbm>> -> memref<10000x64xf32, #tpu.memory_space<hbm>>
        %dma_start3A_166 = arith.constant 0 : i32
        %dma_start3A_167 = arith.constant 0 : i32
        %dma_start3A_168 = tpu.memref_slice %dma_start3A_165[%dma_start3A_166, %dma_start3A_167] : memref<10000x64xf32, #tpu.memory_space<hbm>> -> memref<10000x64xf32, #tpu.memory_space<hbm>>
        tpu.enqueue_indirect_dma source(%dma_start3A_168 : memref<10000x64xf32, #tpu.memory_space<hbm>>) target(%arg13 : memref<125x64xf32, #tpu.memory_space<vmem>>) offsets(%dma_start3A_161 : memref<125xi32, #tpu.memory_space<vmem>>) semaphore(%arg17 : memref<!tpu.dma_semaphore, #tpu.memory_space<semaphore_mem>>)
      } else {
      }
      %dma_wait3A = arith.constant 0 : i32
      %dma_wait3A_70 = arith.constant 0 : i32
      %dma_wait3A_71 = tpu.memref_slice %arg2[%arg0, %dma_wait3A, %dma_wait3A_70] : memref<2x10000x64xf32, #tpu.memory_space<hbm>> -> memref<1x10000x64xf32, #tpu.memory_space<hbm>>
      %dma_wait3A_72 = tpu.memref_squeeze %dma_wait3A_71 : memref<1x10000x64xf32, #tpu.memory_space<hbm>> -> memref<10000x64xf32, #tpu.memory_space<hbm>>
      %dma_wait3A_73 = arith.constant 0 : i32
      %dma_wait3A_74 = arith.constant 0 : i32
      %dma_wait3A_75 = tpu.memref_slice %dma_wait3A_72[%dma_wait3A_73, %dma_wait3A_74] : memref<10000x64xf32, #tpu.memory_space<hbm>> -> memref<125x64xf32, #tpu.memory_space<hbm>>
      %dma_wait3A_76 = arith.constant 0 : i32
      %dma_wait3A_77 = arith.constant 0 : i32
      %dma_wait3A_78 = tpu.memref_slice %arg2[%arg0, %dma_wait3A_76, %dma_wait3A_77] : memref<2x10000x64xf32, #tpu.memory_space<hbm>> -> memref<1x10000x64xf32, #tpu.memory_space<hbm>>
      %dma_wait3A_79 = tpu.memref_squeeze %dma_wait3A_78 : memref<1x10000x64xf32, #tpu.memory_space<hbm>> -> memref<10000x64xf32, #tpu.memory_space<hbm>>
      %dma_wait3A_80 = arith.constant 0 : i32
      %dma_wait3A_81 = arith.constant 0 : i32
      %dma_wait3A_82 = tpu.memref_slice %dma_wait3A_79[%dma_wait3A_80, %dma_wait3A_81] : memref<10000x64xf32, #tpu.memory_space<hbm>> -> memref<125x64xf32, #tpu.memory_space<hbm>>
      tpu.wait_dma2 semaphore(%arg14 : memref<!tpu.dma_semaphore, #tpu.memory_space<semaphore_mem>>) src(%dma_wait3A_82 : memref<125x64xf32, #tpu.memory_space<hbm>>) dst(%arg10 : memref<125x64xf32, #tpu.memory_space<vmem>>)
      "tpu.region"() ({
        %run_scoped3A = tpu.sem_alloc : memref<!tpu.dma_semaphore, #tpu.memory_space<semaphore_mem>>
        %dma_start3A_159 = arith.constant 0 : i32
        %dma_start3A_160 = tpu.memref_slice %arg7[%add3A_65, %dma_start3A_159] : memref<160x125xi32, #tpu.memory_space<vmem>> -> memref<1x125xi32, #tpu.memory_space<vmem>>
        %dma_start3A_161 = tpu.memref_squeeze %dma_start3A_160 : memref<1x125xi32, #tpu.memory_space<vmem>> -> memref<125xi32, #tpu.memory_space<vmem>>
        %dma_start3A_162 = arith.constant 0 : i32
        %dma_start3A_163 = arith.constant 0 : i32
        %dma_start3A_164 = tpu.memref_slice %arg9[%dma_start3A_162, %dma_start3A_163] : memref<10112x64xf32, #tpu.memory_space<vmem_shared>> -> memref<10112x64xf32, #tpu.memory_space<vmem_shared>>
        tpu.enqueue_indirect_dma source(%arg10 : memref<125x64xf32, #tpu.memory_space<vmem>>) target(%dma_start3A_164 : memref<10112x64xf32, #tpu.memory_space<vmem_shared>>) offsets(%dma_start3A_161 : memref<125xi32, #tpu.memory_space<vmem>>) semaphore(%run_scoped3A : memref<!tpu.dma_semaphore, #tpu.memory_space<semaphore_mem>>) {add = true}
        %dma_wait3A_165 = arith.constant 0 : i32
        %dma_wait3A_166 = tpu.memref_slice %arg7[%add3A_65, %dma_wait3A_165] : memref<160x125xi32, #tpu.memory_space<vmem>> -> memref<1x125xi32, #tpu.memory_space<vmem>>
        %dma_wait3A_167 = tpu.memref_squeeze %dma_wait3A_166 : memref<1x125xi32, #tpu.memory_space<vmem>> -> memref<125xi32, #tpu.memory_space<vmem>>
        %dma_wait3A_168 = arith.constant 0 : i32
        %dma_wait3A_169 = arith.constant 0 : i32
        %dma_wait3A_170 = tpu.memref_slice %arg9[%dma_wait3A_168, %dma_wait3A_169] : memref<10112x64xf32, #tpu.memory_space<vmem_shared>> -> memref<10112x64xf32, #tpu.memory_space<vmem_shared>>
        tpu.wait_indirect_dma semaphore(%run_scoped3A : memref<!tpu.dma_semaphore, #tpu.memory_space<semaphore_mem>>) src(%arg10 : memref<125x64xf32, #tpu.memory_space<vmem>>) dst(%dma_wait3A_170 : memref<10112x64xf32, #tpu.memory_space<vmem_shared>>)
        tpu.yield
      }) : () -> ()
      %mul3A_83 = arith.constant 4 : i32
      %mul3A_84 = arith.muli %scan3A_60, %mul3A_83 : i32
      %add3A_85 = arith.constant 1 : i32
      %add3A_86 = arith.addi %mul3A_84, %add3A_85 : i32
      %add3A_87 = arith.constant 3 : i32
      %add3A_88 = arith.addi %add3A_86, %add3A_87 : i32
      %lt3A_89 = arith.constant 160 : i32
      %lt3A_90 = arith.cmpi slt, %add3A_88, %lt3A_89 : i32
      %convert_element_type3A_91 = arith.extui %lt3A_90 : i1 to i32
      %cond3A_92 = arith.constant 0 : i32
      %cond3A_93 = arith.cmpi ne, %convert_element_type3A_91, %cond3A_92 : i32
      scf.if %cond3A_93 {
        %dma_start3A_159 = arith.constant 0 : i32
        %dma_start3A_160 = tpu.memref_slice %arg6[%add3A_88, %dma_start3A_159] : memref<160x125xi32, #tpu.memory_space<vmem>> -> memref<1x125xi32, #tpu.memory_space<vmem>>
        %dma_start3A_161 = tpu.memref_squeeze %dma_start3A_160 : memref<1x125xi32, #tpu.memory_space<vmem>> -> memref<125xi32, #tpu.memory_space<vmem>>
        %dma_start3A_162 = arith.constant 0 : i32
        %dma_start3A_163 = arith.constant 0 : i32
        %dma_start3A_164 = tpu.memref_slice %arg2[%arg0, %dma_start3A_162, %dma_start3A_163] : memref<2x10000x64xf32, #tpu.memory_space<hbm>> -> memref<1x10000x64xf32, #tpu.memory_space<hbm>>
        %dma_start3A_165 = tpu.memref_squeeze %dma_start3A_164 : memref<1x10000x64xf32, #tpu.memory_space<hbm>> -> memref<10000x64xf32, #tpu.memory_space<hbm>>
        %dma_start3A_166 = arith.constant 0 : i32
        %dma_start3A_167 = arith.constant 0 : i32
        %dma_start3A_168 = tpu.memref_slice %dma_start3A_165[%dma_start3A_166, %dma_start3A_167] : memref<10000x64xf32, #tpu.memory_space<hbm>> -> memref<10000x64xf32, #tpu.memory_space<hbm>>
        tpu.enqueue_indirect_dma source(%dma_start3A_168 : memref<10000x64xf32, #tpu.memory_space<hbm>>) target(%arg10 : memref<125x64xf32, #tpu.memory_space<vmem>>) offsets(%dma_start3A_161 : memref<125xi32, #tpu.memory_space<vmem>>) semaphore(%arg14 : memref<!tpu.dma_semaphore, #tpu.memory_space<semaphore_mem>>)
      } else {
      }
      %dma_wait3A_94 = arith.constant 0 : i32
      %dma_wait3A_95 = arith.constant 0 : i32
      %dma_wait3A_96 = tpu.memref_slice %arg2[%arg0, %dma_wait3A_94, %dma_wait3A_95] : memref<2x10000x64xf32, #tpu.memory_space<hbm>> -> memref<1x10000x64xf32, #tpu.memory_space<hbm>>
      %dma_wait3A_97 = tpu.memref_squeeze %dma_wait3A_96 : memref<1x10000x64xf32, #tpu.memory_space<hbm>> -> memref<10000x64xf32, #tpu.memory_space<hbm>>
      %dma_wait3A_98 = arith.constant 0 : i32
      %dma_wait3A_99 = arith.constant 0 : i32
      %dma_wait3A_100 = tpu.memref_slice %dma_wait3A_97[%dma_wait3A_98, %dma_wait3A_99] : memref<10000x64xf32, #tpu.memory_space<hbm>> -> memref<125x64xf32, #tpu.memory_space<hbm>>
      %dma_wait3A_101 = arith.constant 0 : i32
      %dma_wait3A_102 = arith.constant 0 : i32
      %dma_wait3A_103 = tpu.memref_slice %arg2[%arg0, %dma_wait3A_101, %dma_wait3A_102] : memref<2x10000x64xf32, #tpu.memory_space<hbm>> -> memref<1x10000x64xf32, #tpu.memory_space<hbm>>
      %dma_wait3A_104 = tpu.memref_squeeze %dma_wait3A_103 : memref<1x10000x64xf32, #tpu.memory_space<hbm>> -> memref<10000x64xf32, #tpu.memory_space<hbm>>
      %dma_wait3A_105 = arith.constant 0 : i32
      %dma_wait3A_106 = arith.constant 0 : i32
      %dma_wait3A_107 = tpu.memref_slice %dma_wait3A_104[%dma_wait3A_105, %dma_wait3A_106] : memref<10000x64xf32, #tpu.memory_space<hbm>> -> memref<125x64xf32, #tpu.memory_space<hbm>>
      tpu.wait_dma2 semaphore(%arg15 : memref<!tpu.dma_semaphore, #tpu.memory_space<semaphore_mem>>) src(%dma_wait3A_107 : memref<125x64xf32, #tpu.memory_space<hbm>>) dst(%arg11 : memref<125x64xf32, #tpu.memory_space<vmem>>)
      "tpu.region"() ({
        %run_scoped3A = tpu.sem_alloc : memref<!tpu.dma_semaphore, #tpu.memory_space<semaphore_mem>>
        %dma_start3A_159 = arith.constant 0 : i32
        %dma_start3A_160 = tpu.memref_slice %arg7[%add3A_86, %dma_start3A_159] : memref<160x125xi32, #tpu.memory_space<vmem>> -> memref<1x125xi32, #tpu.memory_space<vmem>>
        %dma_start3A_161 = tpu.memref_squeeze %dma_start3A_160 : memref<1x125xi32, #tpu.memory_space<vmem>> -> memref<125xi32, #tpu.memory_space<vmem>>
        %dma_start3A_162 = arith.constant 0 : i32
        %dma_start3A_163 = arith.constant 0 : i32
        %dma_start3A_164 = tpu.memref_slice %arg9[%dma_start3A_162, %dma_start3A_163] : memref<10112x64xf32, #tpu.memory_space<vmem_shared>> -> memref<10112x64xf32, #tpu.memory_space<vmem_shared>>
        tpu.enqueue_indirect_dma source(%arg11 : memref<125x64xf32, #tpu.memory_space<vmem>>) target(%dma_start3A_164 : memref<10112x64xf32, #tpu.memory_space<vmem_shared>>) offsets(%dma_start3A_161 : memref<125xi32, #tpu.memory_space<vmem>>) semaphore(%run_scoped3A : memref<!tpu.dma_semaphore, #tpu.memory_space<semaphore_mem>>) {add = true}
        %dma_wait3A_165 = arith.constant 0 : i32
        %dma_wait3A_166 = tpu.memref_slice %arg7[%add3A_86, %dma_wait3A_165] : memref<160x125xi32, #tpu.memory_space<vmem>> -> memref<1x125xi32, #tpu.memory_space<vmem>>
        %dma_wait3A_167 = tpu.memref_squeeze %dma_wait3A_166 : memref<1x125xi32, #tpu.memory_space<vmem>> -> memref<125xi32, #tpu.memory_space<vmem>>
        %dma_wait3A_168 = arith.constant 0 : i32
        %dma_wait3A_169 = arith.constant 0 : i32
        %dma_wait3A_170 = tpu.memref_slice %arg9[%dma_wait3A_168, %dma_wait3A_169] : memref<10112x64xf32, #tpu.memory_space<vmem_shared>> -> memref<10112x64xf32, #tpu.memory_space<vmem_shared>>
        tpu.wait_indirect_dma semaphore(%run_scoped3A : memref<!tpu.dma_semaphore, #tpu.memory_space<semaphore_mem>>) src(%arg11 : memref<125x64xf32, #tpu.memory_space<vmem>>) dst(%dma_wait3A_170 : memref<10112x64xf32, #tpu.memory_space<vmem_shared>>)
        tpu.yield
      }) : () -> ()
      %mul3A_108 = arith.constant 4 : i32
      %mul3A_109 = arith.muli %scan3A_60, %mul3A_108 : i32
      %add3A_110 = arith.constant 2 : i32
      %add3A_111 = arith.addi %mul3A_109, %add3A_110 : i32
      %add3A_112 = arith.constant 3 : i32
      %add3A_113 = arith.addi %add3A_111, %add3A_112 : i32
      %lt3A_114 = arith.constant 160 : i32
      %lt3A_115 = arith.cmpi slt, %add3A_113, %lt3A_114 : i32
      %convert_element_type3A_116 = arith.extui %lt3A_115 : i1 to i32
      %cond3A_117 = arith.constant 0 : i32
      %cond3A_118 = arith.cmpi ne, %convert_element_type3A_116, %cond3A_117 : i32
      scf.if %cond3A_118 {
        %dma_start3A_159 = arith.constant 0 : i32
        %dma_start3A_160 = tpu.memref_slice %arg6[%add3A_113, %dma_start3A_159] : memref<160x125xi32, #tpu.memory_space<vmem>> -> memref<1x125xi32, #tpu.memory_space<vmem>>
        %dma_start3A_161 = tpu.memref_squeeze %dma_start3A_160 : memref<1x125xi32, #tpu.memory_space<vmem>> -> memref<125xi32, #tpu.memory_space<vmem>>
        %dma_start3A_162 = arith.constant 0 : i32
        %dma_start3A_163 = arith.constant 0 : i32
        %dma_start3A_164 = tpu.memref_slice %arg2[%arg0, %dma_start3A_162, %dma_start3A_163] : memref<2x10000x64xf32, #tpu.memory_space<hbm>> -> memref<1x10000x64xf32, #tpu.memory_space<hbm>>
        %dma_start3A_165 = tpu.memref_squeeze %dma_start3A_164 : memref<1x10000x64xf32, #tpu.memory_space<hbm>> -> memref<10000x64xf32, #tpu.memory_space<hbm>>
        %dma_start3A_166 = arith.constant 0 : i32
        %dma_start3A_167 = arith.constant 0 : i32
        %dma_start3A_168 = tpu.memref_slice %dma_start3A_165[%dma_start3A_166, %dma_start3A_167] : memref<10000x64xf32, #tpu.memory_space<hbm>> -> memref<10000x64xf32, #tpu.memory_space<hbm>>
        tpu.enqueue_indirect_dma source(%dma_start3A_168 : memref<10000x64xf32, #tpu.memory_space<hbm>>) target(%arg11 : memref<125x64xf32, #tpu.memory_space<vmem>>) offsets(%dma_start3A_161 : memref<125xi32, #tpu.memory_space<vmem>>) semaphore(%arg15 : memref<!tpu.dma_semaphore, #tpu.memory_space<semaphore_mem>>)
      } else {
      }
      %dma_wait3A_119 = arith.constant 0 : i32
      %dma_wait3A_120 = arith.constant 0 : i32
      %dma_wait3A_121 = tpu.memref_slice %arg2[%arg0, %dma_wait3A_119, %dma_wait3A_120] : memref<2x10000x64xf32, #tpu.memory_space<hbm>> -> memref<1x10000x64xf32, #tpu.memory_space<hbm>>
      %dma_wait3A_122 = tpu.memref_squeeze %dma_wait3A_121 : memref<1x10000x64xf32, #tpu.memory_space<hbm>> -> memref<10000x64xf32, #tpu.memory_space<hbm>>
      %dma_wait3A_123 = arith.constant 0 : i32
      %dma_wait3A_124 = arith.constant 0 : i32
      %dma_wait3A_125 = tpu.memref_slice %dma_wait3A_122[%dma_wait3A_123, %dma_wait3A_124] : memref<10000x64xf32, #tpu.memory_space<hbm>> -> memref<125x64xf32, #tpu.memory_space<hbm>>
      %dma_wait3A_126 = arith.constant 0 : i32
      %dma_wait3A_127 = arith.constant 0 : i32
      %dma_wait3A_128 = tpu.memref_slice %arg2[%arg0, %dma_wait3A_126, %dma_wait3A_127] : memref<2x10000x64xf32, #tpu.memory_space<hbm>> -> memref<1x10000x64xf32, #tpu.memory_space<hbm>>
      %dma_wait3A_129 = tpu.memref_squeeze %dma_wait3A_128 : memref<1x10000x64xf32, #tpu.memory_space<hbm>> -> memref<10000x64xf32, #tpu.memory_space<hbm>>
      %dma_wait3A_130 = arith.constant 0 : i32
      %dma_wait3A_131 = arith.constant 0 : i32
      %dma_wait3A_132 = tpu.memref_slice %dma_wait3A_129[%dma_wait3A_130, %dma_wait3A_131] : memref<10000x64xf32, #tpu.memory_space<hbm>> -> memref<125x64xf32, #tpu.memory_space<hbm>>
      tpu.wait_dma2 semaphore(%arg16 : memref<!tpu.dma_semaphore, #tpu.memory_space<semaphore_mem>>) src(%dma_wait3A_132 : memref<125x64xf32, #tpu.memory_space<hbm>>) dst(%arg12 : memref<125x64xf32, #tpu.memory_space<vmem>>)
      "tpu.region"() ({
        %run_scoped3A = tpu.sem_alloc : memref<!tpu.dma_semaphore, #tpu.memory_space<semaphore_mem>>
        %dma_start3A_159 = arith.constant 0 : i32
        %dma_start3A_160 = tpu.memref_slice %arg7[%add3A_111, %dma_start3A_159] : memref<160x125xi32, #tpu.memory_space<vmem>> -> memref<1x125xi32, #tpu.memory_space<vmem>>
        %dma_start3A_161 = tpu.memref_squeeze %dma_start3A_160 : memref<1x125xi32, #tpu.memory_space<vmem>> -> memref<125xi32, #tpu.memory_space<vmem>>
        %dma_start3A_162 = arith.constant 0 : i32
        %dma_start3A_163 = arith.constant 0 : i32
        %dma_start3A_164 = tpu.memref_slice %arg9[%dma_start3A_162, %dma_start3A_163] : memref<10112x64xf32, #tpu.memory_space<vmem_shared>> -> memref<10112x64xf32, #tpu.memory_space<vmem_shared>>
        tpu.enqueue_indirect_dma source(%arg12 : memref<125x64xf32, #tpu.memory_space<vmem>>) target(%dma_start3A_164 : memref<10112x64xf32, #tpu.memory_space<vmem_shared>>) offsets(%dma_start3A_161 : memref<125xi32, #tpu.memory_space<vmem>>) semaphore(%run_scoped3A : memref<!tpu.dma_semaphore, #tpu.memory_space<semaphore_mem>>) {add = true}
        %dma_wait3A_165 = arith.constant 0 : i32
        %dma_wait3A_166 = tpu.memref_slice %arg7[%add3A_111, %dma_wait3A_165] : memref<160x125xi32, #tpu.memory_space<vmem>> -> memref<1x125xi32, #tpu.memory_space<vmem>>
        %dma_wait3A_167 = tpu.memref_squeeze %dma_wait3A_166 : memref<1x125xi32, #tpu.memory_space<vmem>> -> memref<125xi32, #tpu.memory_space<vmem>>
        %dma_wait3A_168 = arith.constant 0 : i32
        %dma_wait3A_169 = arith.constant 0 : i32
        %dma_wait3A_170 = tpu.memref_slice %arg9[%dma_wait3A_168, %dma_wait3A_169] : memref<10112x64xf32, #tpu.memory_space<vmem_shared>> -> memref<10112x64xf32, #tpu.memory_space<vmem_shared>>
        tpu.wait_indirect_dma semaphore(%run_scoped3A : memref<!tpu.dma_semaphore, #tpu.memory_space<semaphore_mem>>) src(%arg12 : memref<125x64xf32, #tpu.memory_space<vmem>>) dst(%dma_wait3A_170 : memref<10112x64xf32, #tpu.memory_space<vmem_shared>>)
        tpu.yield
      }) : () -> ()
      %mul3A_133 = arith.constant 4 : i32
      %mul3A_134 = arith.muli %scan3A_60, %mul3A_133 : i32
      %add3A_135 = arith.constant 3 : i32
      %add3A_136 = arith.addi %mul3A_134, %add3A_135 : i32
      %add3A_137 = arith.constant 3 : i32
      %add3A_138 = arith.addi %add3A_136, %add3A_137 : i32
      %lt3A_139 = arith.constant 160 : i32
      %lt3A_140 = arith.cmpi slt, %add3A_138, %lt3A_139 : i32
      %convert_element_type3A_141 = arith.extui %lt3A_140 : i1 to i32
      %cond3A_142 = arith.constant 0 : i32
      %cond3A_143 = arith.cmpi ne, %convert_element_type3A_141, %cond3A_142 : i32
      scf.if %cond3A_143 {
        %dma_start3A_159 = arith.constant 0 : i32
        %dma_start3A_160 = tpu.memref_slice %arg6[%add3A_138, %dma_start3A_159] : memref<160x125xi32, #tpu.memory_space<vmem>> -> memref<1x125xi32, #tpu.memory_space<vmem>>
        %dma_start3A_161 = tpu.memref_squeeze %dma_start3A_160 : memref<1x125xi32, #tpu.memory_space<vmem>> -> memref<125xi32, #tpu.memory_space<vmem>>
        %dma_start3A_162 = arith.constant 0 : i32
        %dma_start3A_163 = arith.constant 0 : i32
        %dma_start3A_164 = tpu.memref_slice %arg2[%arg0, %dma_start3A_162, %dma_start3A_163] : memref<2x10000x64xf32, #tpu.memory_space<hbm>> -> memref<1x10000x64xf32, #tpu.memory_space<hbm>>
        %dma_start3A_165 = tpu.memref_squeeze %dma_start3A_164 : memref<1x10000x64xf32, #tpu.memory_space<hbm>> -> memref<10000x64xf32, #tpu.memory_space<hbm>>
        %dma_start3A_166 = arith.constant 0 : i32
        %dma_start3A_167 = arith.constant 0 : i32
        %dma_start3A_168 = tpu.memref_slice %dma_start3A_165[%dma_start3A_166, %dma_start3A_167] : memref<10000x64xf32, #tpu.memory_space<hbm>> -> memref<10000x64xf32, #tpu.memory_space<hbm>>
        tpu.enqueue_indirect_dma source(%dma_start3A_168 : memref<10000x64xf32, #tpu.memory_space<hbm>>) target(%arg12 : memref<125x64xf32, #tpu.memory_space<vmem>>) offsets(%dma_start3A_161 : memref<125xi32, #tpu.memory_space<vmem>>) semaphore(%arg16 : memref<!tpu.dma_semaphore, #tpu.memory_space<semaphore_mem>>)
      } else {
      }
      %dma_wait3A_144 = arith.constant 0 : i32
      %dma_wait3A_145 = arith.constant 0 : i32
      %dma_wait3A_146 = tpu.memref_slice %arg2[%arg0, %dma_wait3A_144, %dma_wait3A_145] : memref<2x10000x64xf32, #tpu.memory_space<hbm>> -> memref<1x10000x64xf32, #tpu.memory_space<hbm>>
      %dma_wait3A_147 = tpu.memref_squeeze %dma_wait3A_146 : memref<1x10000x64xf32, #tpu.memory_space<hbm>> -> memref<10000x64xf32, #tpu.memory_space<hbm>>
      %dma_wait3A_148 = arith.constant 0 : i32
      %dma_wait3A_149 = arith.constant 0 : i32
      %dma_wait3A_150 = tpu.memref_slice %dma_wait3A_147[%dma_wait3A_148, %dma_wait3A_149] : memref<10000x64xf32, #tpu.memory_space<hbm>> -> memref<125x64xf32, #tpu.memory_space<hbm>>
      %dma_wait3A_151 = arith.constant 0 : i32
      %dma_wait3A_152 = arith.constant 0 : i32
      %dma_wait3A_153 = tpu.memref_slice %arg2[%arg0, %dma_wait3A_151, %dma_wait3A_152] : memref<2x10000x64xf32, #tpu.memory_space<hbm>> -> memref<1x10000x64xf32, #tpu.memory_space<hbm>>
      %dma_wait3A_154 = tpu.memref_squeeze %dma_wait3A_153 : memref<1x10000x64xf32, #tpu.memory_space<hbm>> -> memref<10000x64xf32, #tpu.memory_space<hbm>>
      %dma_wait3A_155 = arith.constant 0 : i32
      %dma_wait3A_156 = arith.constant 0 : i32
      %dma_wait3A_157 = tpu.memref_slice %dma_wait3A_154[%dma_wait3A_155, %dma_wait3A_156] : memref<10000x64xf32, #tpu.memory_space<hbm>> -> memref<125x64xf32, #tpu.memory_space<hbm>>
      tpu.wait_dma2 semaphore(%arg17 : memref<!tpu.dma_semaphore, #tpu.memory_space<semaphore_mem>>) src(%dma_wait3A_157 : memref<125x64xf32, #tpu.memory_space<hbm>>) dst(%arg13 : memref<125x64xf32, #tpu.memory_space<vmem>>)
      "tpu.region"() ({
        %run_scoped3A = tpu.sem_alloc : memref<!tpu.dma_semaphore, #tpu.memory_space<semaphore_mem>>
        %dma_start3A_159 = arith.constant 0 : i32
        %dma_start3A_160 = tpu.memref_slice %arg7[%add3A_136, %dma_start3A_159] : memref<160x125xi32, #tpu.memory_space<vmem>> -> memref<1x125xi32, #tpu.memory_space<vmem>>
        %dma_start3A_161 = tpu.memref_squeeze %dma_start3A_160 : memref<1x125xi32, #tpu.memory_space<vmem>> -> memref<125xi32, #tpu.memory_space<vmem>>
        %dma_start3A_162 = arith.constant 0 : i32
        %dma_start3A_163 = arith.constant 0 : i32
        %dma_start3A_164 = tpu.memref_slice %arg9[%dma_start3A_162, %dma_start3A_163] : memref<10112x64xf32, #tpu.memory_space<vmem_shared>> -> memref<10112x64xf32, #tpu.memory_space<vmem_shared>>
        tpu.enqueue_indirect_dma source(%arg13 : memref<125x64xf32, #tpu.memory_space<vmem>>) target(%dma_start3A_164 : memref<10112x64xf32, #tpu.memory_space<vmem_shared>>) offsets(%dma_start3A_161 : memref<125xi32, #tpu.memory_space<vmem>>) semaphore(%run_scoped3A : memref<!tpu.dma_semaphore, #tpu.memory_space<semaphore_mem>>) {add = true}
        %dma_wait3A_165 = arith.constant 0 : i32
        %dma_wait3A_166 = tpu.memref_slice %arg7[%add3A_136, %dma_wait3A_165] : memref<160x125xi32, #tpu.memory_space<vmem>> -> memref<1x125xi32, #tpu.memory_space<vmem>>
        %dma_wait3A_167 = tpu.memref_squeeze %dma_wait3A_166 : memref<1x125xi32, #tpu.memory_space<vmem>> -> memref<125xi32, #tpu.memory_space<vmem>>
        %dma_wait3A_168 = arith.constant 0 : i32
        %dma_wait3A_169 = arith.constant 0 : i32
        %dma_wait3A_170 = tpu.memref_slice %arg9[%dma_wait3A_168, %dma_wait3A_169] : memref<10112x64xf32, #tpu.memory_space<vmem_shared>> -> memref<10112x64xf32, #tpu.memory_space<vmem_shared>>
        tpu.wait_indirect_dma semaphore(%run_scoped3A : memref<!tpu.dma_semaphore, #tpu.memory_space<semaphore_mem>>) src(%arg13 : memref<125x64xf32, #tpu.memory_space<vmem>>) dst(%dma_wait3A_170 : memref<10112x64xf32, #tpu.memory_space<vmem_shared>>)
        tpu.yield
      }) : () -> ()
      %scan3A_158 = arith.constant 0 : i32
      scf.yield %scan3A_158 : i32
    }
    %scan3A_55 = arith.constant 40 : i32
    %barrier3A_56 = arith.constant 0 : index
    tpu.barrier barrier_id(%barrier3A_56)
    %mul3A_57 = arith.constant 10112 : i32
    %mul3A_58 = arith.muli %arg0, %mul3A_57 : i32
    %add3A_59 = arith.addi %mul3A_58, %mul3A_7 : i32
    "tpu.region"() ({
      %run_scoped3A = tpu.sem_alloc : memref<!tpu.dma_semaphore, #tpu.memory_space<semaphore_mem>>
      %dma_start3A_60 = arith.constant 0 : i32
      %dma_start3A_61 = tpu.memref_slice %arg5[%add3A_59, %dma_start3A_60] : memref<20224x64xf32, #tpu.memory_space<hbm>> -> memref<632x64xf32, #tpu.memory_space<hbm>>
      %dma_start3A_62 = arith.constant 0 : i32
      %dma_start3A_63 = tpu.memref_slice %arg9[%mul3A_7, %dma_start3A_62] : memref<10112x64xf32, #tpu.memory_space<vmem_shared>> -> memref<632x64xf32, #tpu.memory_space<vmem_shared>>
      tpu.enqueue_dma source(%dma_start3A_63 : memref<632x64xf32, #tpu.memory_space<vmem_shared>>) target(%dma_start3A_61 : memref<632x64xf32, #tpu.memory_space<hbm>>) target_semaphore(%run_scoped3A : memref<!tpu.dma_semaphore, #tpu.memory_space<semaphore_mem>>)
      %dma_wait3A = arith.constant 0 : i32
      %dma_wait3A_64 = tpu.memref_slice %arg5[%add3A_59, %dma_wait3A] : memref<20224x64xf32, #tpu.memory_space<hbm>> -> memref<632x64xf32, #tpu.memory_space<hbm>>
      %dma_wait3A_65 = arith.constant 0 : i32
      %dma_wait3A_66 = tpu.memref_slice %arg9[%mul3A_7, %dma_wait3A_65] : memref<10112x64xf32, #tpu.memory_space<vmem_shared>> -> memref<632x64xf32, #tpu.memory_space<vmem_shared>>
      tpu.wait_dma2 semaphore(%run_scoped3A : memref<!tpu.dma_semaphore, #tpu.memory_space<semaphore_mem>>) src(%dma_wait3A_66 : memref<632x64xf32, #tpu.memory_space<vmem_shared>>) dst(%dma_wait3A_64 : memref<632x64xf32, #tpu.memory_space<hbm>>)
      tpu.yield
    }) : () -> ()
    return
  }
}

module attributes {stable_mosaic.version = 14 : i64} {
  func.func @_pre_body(%arg0: memref<10000x128xf32, #tpu.memory_space<vmem>>, %arg1: memref<128x128xf32, #tpu.memory_space<vmem>>, %arg2: memref<1x128xf32, #tpu.memory_space<vmem>>, %arg3: memref<32x10112xf32, #tpu.memory_space<vmem>>, %arg4: memref<2x10000x64xf32, #tpu.memory_space<vmem>>, %arg5: memref<10000x1xf32, #tpu.memory_space<vmem>>) attributes {dimension_semantics = [], scalar_prefetch = 0 : i64, scratch_operands = 0 : i64, tpu.core_type = #tpu.core_type<tc>} {
    %get3A = arith.constant 0 : index
    %get3A_0 = arith.constant 0 : index
    %get3A_1 = vector.load %arg3[%get3A, %get3A_0] : memref<32x10112xf32, #tpu.memory_space<vmem>>, vector<32x10112xf32>
    %broadcast_in_dim3A = arith.constant 1.000000e+00 : f32
    %broadcast_in_dim3A_2 = vector.broadcast %broadcast_in_dim3A : f32 to vector<32x1xf32>
    %dot_general3A = arith.constant dense<0.000000e+00> : vector<10112x1xf32>
    %dot_general3A_3 = tpu.matmul %get3A_1, %broadcast_in_dim3A_2, %dot_general3A {dimension_numbers = #tpu.dot_dimension_numbers<[0], [0], [1], [1], [0, 1, 1, 1], [], []>, transpose_lhs_hint = false} : vector<32x10112xf32>, vector<32x1xf32>, vector<10112x1xf32> -> vector<10112x1xf32>
    %add3A = arith.constant 1.000000e+00 : f32
    %add3A_4 = vector.broadcast %add3A : f32 to vector<10112x1xf32>
    %add3A_5 = arith.addf %dot_general3A_3, %add3A_4 : vector<10112x1xf32>
    %rsqrt3A = math.rsqrt %add3A_5 : vector<10112x1xf32>
    %slice3A = vector.extract_strided_slice %rsqrt3A {offsets = [0, 0], sizes = [10000, 1], strides = [1, 1]} : vector<10112x1xf32> to vector<10000x1xf32>
    %get3A_6 = arith.constant 0 : index
    %get3A_7 = arith.constant 0 : index
    %get3A_8 = vector.load %arg0[%get3A_6, %get3A_7] : memref<10000x128xf32, #tpu.memory_space<vmem>>, vector<10000x128xf32>
    %get3A_9 = arith.constant 0 : index
    %get3A_10 = arith.constant 0 : index
    %get3A_11 = vector.load %arg1[%get3A_9, %get3A_10] : memref<128x128xf32, #tpu.memory_space<vmem>>, vector<128x128xf32>
    %dot_general3A_12 = arith.constant dense<0.000000e+00> : vector<10000x128xf32>
    %dot_general3A_13 = tpu.matmul %get3A_8, %get3A_11, %dot_general3A_12 {dimension_numbers = #tpu.dot_dimension_numbers<[1], [1], [0], [0], [0, 0, 1, 0], [], []>, transpose_lhs_hint = false} : vector<10000x128xf32>, vector<128x128xf32>, vector<10000x128xf32> -> vector<10000x128xf32>
    %get3A_14 = arith.constant 0 : index
    %get3A_15 = arith.constant 0 : index
    %get3A_16 = vector.load %arg2[%get3A_14, %get3A_15] : memref<1x128xf32, #tpu.memory_space<vmem>>, vector<1x128xf32>
    %add3A_17 = vector.broadcast %get3A_16 : vector<1x128xf32> to vector<10000x128xf32>
    %add3A_18 = arith.addf %dot_general3A_13, %add3A_17 : vector<10000x128xf32>
    %mul3A = vector.broadcast %slice3A : vector<10000x1xf32> to vector<10000x128xf32>
    %mul3A_19 = arith.mulf %add3A_18, %mul3A : vector<10000x128xf32>
    %slice3A_20 = vector.extract_strided_slice %mul3A_19 {offsets = [0, 0], sizes = [10000, 64], strides = [1, 1]} : vector<10000x128xf32> to vector<10000x64xf32>
    %swap3A = arith.constant 0 : index
    %swap3A_21 = arith.constant 0 : index
    %swap3A_22 = arith.constant 0 : index
    %swap3A_23 = vector.load %arg4[%swap3A, %swap3A_21, %swap3A_22] : memref<2x10000x64xf32, #tpu.memory_space<vmem>>, vector<1x10000x64xf32>
    %swap3A_24 = vector.shape_cast %swap3A_23 : vector<1x10000x64xf32> to vector<10000x64xf32>
    %swap3A_25 = vector.shape_cast %slice3A_20 : vector<10000x64xf32> to vector<1x10000x64xf32>
    tpu.vector_store %arg4[%swap3A, %swap3A_21, %swap3A_22], %swap3A_25 {strides = array<i32>} : memref<2x10000x64xf32, #tpu.memory_space<vmem>>, vector<1x10000x64xf32>,
    %slice3A_26 = vector.extract_strided_slice %mul3A_19 {offsets = [0, 64], sizes = [10000, 64], strides = [1, 1]} : vector<10000x128xf32> to vector<10000x64xf32>
    %swap3A_27 = arith.constant 1 : index
    %swap3A_28 = arith.constant 0 : index
    %swap3A_29 = arith.constant 0 : index
    %swap3A_30 = vector.load %arg4[%swap3A_27, %swap3A_28, %swap3A_29] : memref<2x10000x64xf32, #tpu.memory_space<vmem>>, vector<1x10000x64xf32>
    %swap3A_31 = vector.shape_cast %swap3A_30 : vector<1x10000x64xf32> to vector<10000x64xf32>
    %swap3A_32 = vector.shape_cast %slice3A_26 : vector<10000x64xf32> to vector<1x10000x64xf32>
    tpu.vector_store %arg4[%swap3A_27, %swap3A_28, %swap3A_29], %swap3A_32 {strides = array<i32>} : memref<2x10000x64xf32, #tpu.memory_space<vmem>>, vector<1x10000x64xf32>,
    %swap3A_33 = arith.constant 0 : index
    %swap3A_34 = arith.constant 0 : index
    %swap3A_35 = vector.load %arg5[%swap3A_33, %swap3A_34] : memref<10000x1xf32, #tpu.memory_space<vmem>>, vector<10000x1xf32>
    tpu.vector_store %arg5[%swap3A_33, %swap3A_34], %slice3A {strides = array<i32>} : memref<10000x1xf32, #tpu.memory_space<vmem>>, vector<10000x1xf32>,
    return
  }
}

module attributes {stable_mosaic.version = 14 : i64} {
  func.func @_mid_body(%arg0: memref<2x10112x64xf32, #tpu.memory_space<vmem>>, %arg1: memref<2x10000x64xf32, #tpu.memory_space<vmem>>, %arg2: memref<10000x1xf32, #tpu.memory_space<vmem>>, %arg3: memref<128x128xf32, #tpu.memory_space<vmem>>, %arg4: memref<1x128xf32, #tpu.memory_space<vmem>>, %arg5: memref<2x10000x64xf32, #tpu.memory_space<vmem>>) attributes {dimension_semantics = [], scalar_prefetch = 0 : i64, scratch_operands = 0 : i64, tpu.core_type = #tpu.core_type<tc>} {
    %get3A = arith.constant 0 : index
    %get3A_0 = arith.constant 0 : index
    %get3A_1 = vector.load %arg2[%get3A, %get3A_0] : memref<10000x1xf32, #tpu.memory_space<vmem>>, vector<10000x1xf32>
    %get3A_2 = arith.constant 0 : index
    %get3A_3 = arith.constant 0 : index
    %get3A_4 = arith.constant 0 : index
    %get3A_5 = vector.load %arg0[%get3A_2, %get3A_3, %get3A_4] : memref<2x10112x64xf32, #tpu.memory_space<vmem>>, vector<2x10000x64xf32>
    %get3A_6 = arith.constant 0 : index
    %get3A_7 = arith.constant 0 : index
    %get3A_8 = arith.constant 0 : index
    %get3A_9 = vector.load %arg1[%get3A_6, %get3A_7, %get3A_8] : memref<2x10000x64xf32, #tpu.memory_space<vmem>>, vector<2x10000x64xf32>
    %add3A = arith.addf %get3A_5, %get3A_9 : vector<2x10000x64xf32>
    %broadcast_in_dim3A = vector.shape_cast %get3A_1 : vector<10000x1xf32> to vector<1x10000x1xf32>
    %mul3A = vector.broadcast %broadcast_in_dim3A : vector<1x10000x1xf32> to vector<2x10000x64xf32>
    %mul3A_10 = arith.mulf %add3A, %mul3A : vector<2x10000x64xf32>
    %max3A = arith.constant 0.000000e+00 : f32
    %max3A_11 = vector.broadcast %max3A : f32 to vector<2x10000x64xf32>
    %max3A_12 = arith.maximumf %mul3A_10, %max3A_11 : vector<2x10000x64xf32>
    %slice3A = vector.extract_strided_slice %max3A_12 {offsets = [0, 0, 0], sizes = [1, 10000, 64], strides = [1, 1, 1]} : vector<2x10000x64xf32> to vector<1x10000x64xf32>
    %squeeze3A = vector.shape_cast %slice3A : vector<1x10000x64xf32> to vector<10000x64xf32>
    %slice3A_13 = vector.extract_strided_slice %max3A_12 {offsets = [1, 0, 0], sizes = [1, 10000, 64], strides = [1, 1, 1]} : vector<2x10000x64xf32> to vector<1x10000x64xf32>
    %squeeze3A_14 = vector.shape_cast %slice3A_13 : vector<1x10000x64xf32> to vector<10000x64xf32>
    %concatenate3A = tpu.concatenate %squeeze3A, %squeeze3A_14 in 1 : vector<10000x64xf32>, vector<10000x64xf32> -> vector<10000x128xf32>
    %get3A_15 = arith.constant 0 : index
    %get3A_16 = arith.constant 0 : index
    %get3A_17 = vector.load %arg3[%get3A_15, %get3A_16] : memref<128x128xf32, #tpu.memory_space<vmem>>, vector<128x128xf32>
    %dot_general3A = arith.constant dense<0.000000e+00> : vector<10000x128xf32>
    %dot_general3A_18 = tpu.matmul %concatenate3A, %get3A_17, %dot_general3A {dimension_numbers = #tpu.dot_dimension_numbers<[1], [1], [0], [0], [0, 0, 1, 0], [], []>, transpose_lhs_hint = false} : vector<10000x128xf32>, vector<128x128xf32>, vector<10000x128xf32> -> vector<10000x128xf32>
    %get3A_19 = arith.constant 0 : index
    %get3A_20 = arith.constant 0 : index
    %get3A_21 = vector.load %arg4[%get3A_19, %get3A_20] : memref<1x128xf32, #tpu.memory_space<vmem>>, vector<1x128xf32>
    %add3A_22 = vector.broadcast %get3A_21 : vector<1x128xf32> to vector<10000x128xf32>
    %add3A_23 = arith.addf %dot_general3A_18, %add3A_22 : vector<10000x128xf32>
    %mul3A_24 = vector.broadcast %get3A_1 : vector<10000x1xf32> to vector<10000x128xf32>
    %mul3A_25 = arith.mulf %add3A_23, %mul3A_24 : vector<10000x128xf32>
    %slice3A_26 = vector.extract_strided_slice %mul3A_25 {offsets = [0, 0], sizes = [10000, 64], strides = [1, 1]} : vector<10000x128xf32> to vector<10000x64xf32>
    %swap3A = arith.constant 0 : index
    %swap3A_27 = arith.constant 0 : index
    %swap3A_28 = arith.constant 0 : index
    %swap3A_29 = vector.load %arg5[%swap3A, %swap3A_27, %swap3A_28] : memref<2x10000x64xf32, #tpu.memory_space<vmem>>, vector<1x10000x64xf32>
    %swap3A_30 = vector.shape_cast %swap3A_29 : vector<1x10000x64xf32> to vector<10000x64xf32>
    %swap3A_31 = vector.shape_cast %slice3A_26 : vector<10000x64xf32> to vector<1x10000x64xf32>
    tpu.vector_store %arg5[%swap3A, %swap3A_27, %swap3A_28], %swap3A_31 {strides = array<i32>} : memref<2x10000x64xf32, #tpu.memory_space<vmem>>, vector<1x10000x64xf32>,
    %slice3A_32 = vector.extract_strided_slice %mul3A_25 {offsets = [0, 64], sizes = [10000, 64], strides = [1, 1]} : vector<10000x128xf32> to vector<10000x64xf32>
    %swap3A_33 = arith.constant 1 : index
    %swap3A_34 = arith.constant 0 : index
    %swap3A_35 = arith.constant 0 : index
    %swap3A_36 = vector.load %arg5[%swap3A_33, %swap3A_34, %swap3A_35] : memref<2x10000x64xf32, #tpu.memory_space<vmem>>, vector<1x10000x64xf32>
    %swap3A_37 = vector.shape_cast %swap3A_36 : vector<1x10000x64xf32> to vector<10000x64xf32>
    %swap3A_38 = vector.shape_cast %slice3A_32 : vector<10000x64xf32> to vector<1x10000x64xf32>
    tpu.vector_store %arg5[%swap3A_33, %swap3A_34, %swap3A_35], %swap3A_38 {strides = array<i32>} : memref<2x10000x64xf32, #tpu.memory_space<vmem>>, vector<1x10000x64xf32>,
    return
  }
}

module attributes {stable_mosaic.version = 14 : i64} {
  func.func @_post_body(%arg0: memref<2x10112x64xf32, #tpu.memory_space<vmem>>, %arg1: memref<2x10000x64xf32, #tpu.memory_space<vmem>>, %arg2: memref<10000x1xf32, #tpu.memory_space<vmem>>, %arg3: memref<10000x128xf32, #tpu.memory_space<vmem>>) attributes {dimension_semantics = [], scalar_prefetch = 0 : i64, scratch_operands = 0 : i64, tpu.core_type = #tpu.core_type<tc>} {
    %get3A = arith.constant 0 : index
    %get3A_0 = arith.constant 0 : index
    %get3A_1 = vector.load %arg2[%get3A, %get3A_0] : memref<10000x1xf32, #tpu.memory_space<vmem>>, vector<10000x1xf32>
    %get3A_2 = arith.constant 0 : index
    %get3A_3 = arith.constant 0 : index
    %get3A_4 = arith.constant 0 : index
    %get3A_5 = vector.load %arg0[%get3A_2, %get3A_3, %get3A_4] : memref<2x10112x64xf32, #tpu.memory_space<vmem>>, vector<2x10000x64xf32>
    %get3A_6 = arith.constant 0 : index
    %get3A_7 = arith.constant 0 : index
    %get3A_8 = arith.constant 0 : index
    %get3A_9 = vector.load %arg1[%get3A_6, %get3A_7, %get3A_8] : memref<2x10000x64xf32, #tpu.memory_space<vmem>>, vector<2x10000x64xf32>
    %add3A = arith.addf %get3A_5, %get3A_9 : vector<2x10000x64xf32>
    %broadcast_in_dim3A = vector.shape_cast %get3A_1 : vector<10000x1xf32> to vector<1x10000x1xf32>
    %mul3A = vector.broadcast %broadcast_in_dim3A : vector<1x10000x1xf32> to vector<2x10000x64xf32>
    %mul3A_10 = arith.mulf %add3A, %mul3A : vector<2x10000x64xf32>
    %slice3A = vector.extract_strided_slice %mul3A_10 {offsets = [0, 0, 0], sizes = [1, 10000, 64], strides = [1, 1, 1]} : vector<2x10000x64xf32> to vector<1x10000x64xf32>
    %squeeze3A = vector.shape_cast %slice3A : vector<1x10000x64xf32> to vector<10000x64xf32>
    %slice3A_11 = vector.extract_strided_slice %mul3A_10 {offsets = [1, 0, 0], sizes = [1, 10000, 64], strides = [1, 1, 1]} : vector<2x10000x64xf32> to vector<1x10000x64xf32>
    %squeeze3A_12 = vector.shape_cast %slice3A_11 : vector<1x10000x64xf32> to vector<10000x64xf32>
    %concatenate3A = tpu.concatenate %squeeze3A, %squeeze3A_12 in 1 : vector<10000x64xf32>, vector<10000x64xf32> -> vector<10000x128xf32>
    %reduce_max3A = arith.constant dense<0xFF800000> : vector<10000xf32>
    %reduce_max3A_13 = vector.multi_reduction <maximumf>, %concatenate3A, %reduce_max3A [1] : vector<10000x128xf32> to vector<10000xf32>
    %broadcast_in_dim3A_14 = vector.shape_cast %reduce_max3A_13 : vector<10000xf32> to vector<10000x1xf32>
    %sub3A = vector.broadcast %broadcast_in_dim3A_14 : vector<10000x1xf32> to vector<10000x128xf32>
    %sub3A_15 = arith.subf %concatenate3A, %sub3A : vector<10000x128xf32>
    %exp3A = math.exp %sub3A_15 : vector<10000x128xf32>
    %reduce_sum3A = arith.constant dense<0.000000e+00> : vector<10000xf32>
    %reduce_sum3A_16 = vector.multi_reduction <add>, %exp3A, %reduce_sum3A [1] : vector<10000x128xf32> to vector<10000xf32>
    %broadcast_in_dim3A_17 = vector.shape_cast %reduce_sum3A_16 : vector<10000xf32> to vector<10000x1xf32>
    %sub3A_18 = vector.broadcast %broadcast_in_dim3A_14 : vector<10000x1xf32> to vector<10000x128xf32>
    %sub3A_19 = arith.subf %concatenate3A, %sub3A_18 : vector<10000x128xf32>
    %log3A = math.log %broadcast_in_dim3A_17 : vector<10000x1xf32>
    %sub3A_20 = vector.broadcast %log3A : vector<10000x1xf32> to vector<10000x128xf32>
    %sub3A_21 = arith.subf %sub3A_19, %sub3A_20 : vector<10000x128xf32>
    %swap3A = arith.constant 0 : index
    %swap3A_22 = arith.constant 0 : index
    %swap3A_23 = vector.load %arg3[%swap3A, %swap3A_22] : memref<10000x128xf32, #tpu.memory_space<vmem>>, vector<10000x128xf32>
    tpu.vector_store %arg3[%swap3A, %swap3A_22], %sub3A_21 {strides = array<i32>} : memref<10000x128xf32, #tpu.memory_space<vmem>>, vector<10000x128xf32>,
    return
  }
}

</mosaic_0001>

<sc_bundles>
// kernel: kernel.11.cloned.1.call-start
scs
__scs_entry_jumppad:
0x0: {  	(pc) =	sbr.rel $0x88, $3  }
0x1: {  	(tag) =	ssettag $0x0;
	lr =	simm.s32 $0x1  }
0x2: {  	[smem:$0x3F9B] =	sst lr;
	_ =	strace $0xD0000000  }
0x3: {  	_ = 	snop  }
0x4: {  	_ = 	snop  }
0x5: {  	_ = 	snop  }
0x6: {  	_ = 	snop  }
0x7: {  	_ = 	snop  }
__scs_overlays_trampoline_lowered:
0x8: {  	[smem:$0x3FAA] =	sst s0  }
0x9: {  	[smem:$0x3FAB] =	sst s1  }
0xa: {  	[smem:$0x3FAC] =	sst s2  }
0xb: {  	[smem:$0x3FAD] =	sst s3  }
0xc: {  	[smem:$0x3FAE] =	sst s4  }
0xd: {  	[smem:$0x3FAF] =	sst s5  }
0xe: {  	[smem:$0x3FB0] =	sst s6  }
0xf: {  	[smem:$0x3FB1] =	sst s7  }
0x10: {  	[smem:$0x3FB2] =	sst s8  }
0x11: {  	[smem:$0x3FB3] =	sst s9;
	s0 =	simm.s32 @!p0 $0x0  }
0x12: {  	s1 =	sld [smem:$0x3F99];
	s0 =	simm.s32 @p0 $0x1  }
0x13: {  	[smem:$0x3FB4] =	sst s0;
	s0 =	simm.s32 @!p1 $0x0  }
0x14: {  	s2 =	sld [smem:$0x3F98];
	s0 =	simm.s32 @p1 $0x1  }
0x15: {  	[smem:$0x3FB5] =	sst s0;
	s0 =	simm.s32 @!p2 $0x0  }
0x16: {  	s3 =	sld [smem:$0x3FDB];
	s0 =	simm.s32 @p2 $0x1  }
0x17: {  	s4 =	simm.s32 $0x1BF5;
	[smem:$0x3FB7] =	sst s0  }
0x18: {  	s0 =	sld [smem:$0x3F9A];
	_ =	swait.ge [sflag:s4], $0x0  }
0x19: {  	s7 =	sld [smem:$0x3F9B]  }
0x1a: {  	s8 =	sadd.s32 $0xFFFFE003, lr  }
0x1b: {  	s9 =	sadd.s32 $0xFFFFFEF7, lr;
	s5 =	simm.s32 $0xFFFFFFFF;
	p2 =	slt.u32 s8, $0xFFFFF086  }
0x1c: {  	p1 =	slt.u32 s9, $0xF7A;
	s5 =	simm.s32 @!p2 $0x0  }
0x1d: {  	s5 =	simm.s32 @p1 $0x1;
	p0 =	seq.s32 s7, s2  }
0x1e: {  	s7 =	smul.u32 @!p0 $0xF7A, s2;
	p2 =	seq.s32 @!p0 s5, $0x0  }
0x1f: {  	s9 =	smul.u32 $0xF7A, s1;
	s8 =	simm.s32 @!p0 $0x1BF5;
	p2 =	por !p2, p0  }
0x20: {  	[sflag:s8] =	ssyncset.s32 @!p0 $0xFFFFF086;
	s6 =	sadd.s32 @!p0 s3, s7;
	s7 =	simm.s32 @!p0 $0x108  }
0x21: {  	s3 =	sadd.s32 s3, s9;
	s6 =	sadd.s32 @!p0 $0x88, s6;
	s7 =	simm.s32 @p2 $0x1082  }
0x22: {  	[simem:s7], [sflag:s8] =	dma.local @!p0 [hbm:s6], $0xF7A  }
0x23: {  	s9 =	sor.u32 $0xD0000000, s2;
	s6 =	simm.s32 $0x108;
	_ =	swait.ge @!p0 [sflag:s8], $0x0  }
0x24: {  	s3 =	sadd.s32 $0x88, s3;
	s6 =	simm.s32 @!p1 $0x1082;
	[sflag:s4] =	ssyncset.s32 $0xFFFFF086  }
0x25: {  	[simem:s6], [sflag:s4] =	dma.local [hbm:s3], $0xF7A  }
0x26: {  	[smem:$0x3F9B] =	sst s1;
	(tag) =	ssettag s2;
	_ =	strace s9  }
0x27: {  	s1 =	sld [smem:$0x3FAB]  }
0x28: {  	s2 =	sld [smem:$0x3FAC]  }
0x29: {  	s4 =	sld [smem:$0x3FAE]  }
0x2a: {  	p0 =	seq.s32 s5, $0x0;
	s5 =	sld [smem:$0x3FAF]  }
0x2b: {  	s6 =	sld [smem:$0x3FB0]  }
0x2c: {  	s7 =	sld [smem:$0x3FB1]  }
0x2d: {  	s3 =	simm.s32 $0x108;
	s8 =	sld [smem:$0x3FB2]  }
0x2e: {  	s3 =	simm.s32 @!p0 $0x1082;
	s9 =	sld [smem:$0x3FB3]  }
0x2f: {  	lr =	sadd.s32 s0, s3;
	s0 =	sld [smem:$0x3FAA]  }
0x30: {  	s3 =	sld [smem:$0x3FAD]  }
0x31: {  	[smem:$0x3FB6] =	sst s10  }
0x32: {  	s10 =	sld [smem:$0x3FB4];
	_ =	sdelay $0x3  }
0x33: {  	p0 =	seq.s32 s10, $0x1;
	s10 =	sld [smem:$0x3FB6];
	_ =	sdelay $0x3  }
0x34: {  	[smem:$0x3FB6] =	sst s10  }
0x35: {  	s10 =	sld [smem:$0x3FB5];
	_ =	sdelay $0x3  }
0x36: {  	p1 =	seq.s32 s10, $0x1;
	s10 =	sld [smem:$0x3FB6];
	_ =	sdelay $0x3  }
0x37: {  	[smem:$0x3FB6] =	sst s10  }
0x38: {  	s10 =	sld [smem:$0x3FB7]  }
0x39: {  	_ = 	snop;
	(pc) =	sbr.ind lr, $3  }
0x3a: {  	_ = 	snop  }
0x3b: {  	_ = 	snop  }
0x3c: {  	p2 =	seq.s32 s10, $0x1;
	s10 =	sld [smem:$0x3FB6]  }
0x3d: {  	_ =	shalt  }
0x3e: {  	_ =	shalt  }
0x3f: {  	_ =	shalt  }
0x40: {  	_ =	shalt  }
0x41: {  	_ =	shalt  }
0x42: {  	_ =	shalt  }
0x43: {  	_ =	shalt  }
0x44: {  	_ =	shalt  }
0x45: {  	_ =	shalt  }
0x46: {  	_ =	shalt  }
0x47: {  	_ =	shalt  }
0x48: {  	_ =	shalt  }
0x49: {  	_ =	shalt  }
0x4a: {  	_ =	shalt  }
0x4b: {  	_ =	shalt  }
0x4c: {  	_ =	shalt  }
0x4d: {  	_ =	shalt  }
0x4e: {  	_ =	shalt  }
0x4f: {  	_ =	shalt  }
0x50: {  	_ =	shalt  }
0x51: {  	_ =	shalt  }
0x52: {  	_ =	shalt  }
0x53: {  	_ =	shalt  }
0x54: {  	_ =	shalt  }
0x55: {  	_ =	shalt  }
0x56: {  	_ =	shalt  }
0x57: {  	_ =	shalt  }
0x58: {  	_ =	shalt  }
0x59: {  	_ =	shalt  }
0x5a: {  	_ =	shalt  }
0x5b: {  	_ =	shalt  }
0x5c: {  	_ =	shalt  }
0x5d: {  	_ =	shalt  }
0x5e: {  	_ =	shalt  }
0x5f: {  	_ =	shalt  }
0x60: {  	_ =	shalt  }
0x61: {  	_ =	shalt  }
0x62: {  	_ =	shalt  }
0x63: {  	_ =	shalt  }
0x64: {  	_ =	shalt  }
0x65: {  	_ =	shalt  }
0x66: {  	_ =	shalt  }
0x67: {  	_ =	shalt  }
0x68: {  	_ =	shalt  }
0x69: {  	_ =	shalt  }
0x6a: {  	_ =	shalt  }
0x6b: {  	_ =	shalt  }
0x6c: {  	_ =	shalt  }
0x6d: {  	_ =	shalt  }
0x6e: {  	_ =	shalt  }
0x6f: {  	_ =	shalt  }
0x70: {  	_ =	shalt  }
0x71: {  	_ =	shalt  }
0x72: {  	_ =	shalt  }
0x73: {  	_ =	shalt  }
0x74: {  	_ =	shalt  }
0x75: {  	_ =	shalt  }
0x76: {  	_ =	shalt  }
0x77: {  	_ =	shalt  }
0x78: {  	_ =	shalt  }
0x79: {  	_ =	shalt  }
0x7a: {  	_ =	shalt  }
0x7b: {  	_ =	shalt  }
0x7c: {  	_ =	shalt  }
0x7d: {  	_ =	shalt  }
0x7e: {  	_ =	shalt  }
0x7f: {  	_ =	shalt  }
0x80: {  	_ =	shalt  }
0x81: {  	_ =	shalt  }
0x82: {  	_ =	shalt  }
0x83: {  	_ =	shalt  }
0x84: {  	_ =	shalt  }
0x85: {  	_ =	shalt  }
0x86: {  	_ =	shalt  }
0x87: {  	_ =	shalt  }
.Lfunc_end0:
.L_simem_size_0:
called_computation.1_lowered:
.L_overlay_start_0:
0x88: {  	s2 =	sld [smem:$0x3FD9]  }
0x89: {  	s3 =	sld [smem:$0x3FFE];
	_ =	sdelay $0x1  }
0x8a: {  	s1 =	srdreg.scid  }
0x8b: {  	s0 =	sand.u32 $0x1, s1  }
0x8c: {  	s17 =	sshll.u32 s0, $0xA;
	s2 =	sadd.s32 s3, s2  }
0x8d: {  	s2 =	sadd.s32 s2, s17  }
0x8e: {  	[smem:$0x3FC2] =	sst s2  }
0x8f: {  	_ = 	snop  }
0x90: {  	s2 =	sld [smem:$0x3FD0];
	(tm) =	ssettm $0x1  }
0x91: {  	s18 =	sld [smem:$0x3FFB];
	_ =	sdelay $0x3  }
0x92: {  	_ =	strace s18  }
0x93: {  	s3 =	sld [smem:$0x3FFC];
	_ =	sdelay $0x3  }
0x94: {  	_ =	strace s3  }
0x95: {  	s3 =	sld [smem:$0x3FFD];
	_ =	sdelay $0x3  }
0x96: {  	_ =	strace s3  }
0x97: {  	_ =	strace $0x8FFFFFFF  }
0x98: {  	s19 =	sld [smem:$0x3FDB];
	_ =	sdelay $0x1  }
0x99: {  	s4 =	simm.s32 $_scs_section_size  }
0x9a: {  	s5 =	simm.s32 $_size__tile_overlayer_lowered;
	s6 =	simm.s32 $_tile_overlayer_lowered  }
0x9b: {  	s22 =	simm.s32 $0x1BFF;
	s21 =	sshll.u32 s6, $0x1;
	s3 =	sadd.s32 s4, s19  }
0x9c: {  	s7 =	simm.s32 $0x0;
	s20 =	sshll.u32 s5, $0x1;
	s5 =	sadd.s32 s21, s3  }
0x9d: {  	[timem:s7], [sflag:s22] =	dma.local [hbm:s5], s20  }
0x9e: {  	_ =	swait.ge [sflag:s22], s20  }
0x9f: {  	s4 =	ssub.s32 $0x0, s20;
	[sflag:s22] =	ssyncset.done $0x0  }
0xa0: {  	[sflag:s22] =	ssyncadd.s32 s4;
	_ =	sdelay $0x1  }
0xa1: {  	s23 =	simm.s32 $0x1B8B  }
0xa2: {  	_ =	swait.ge [sflag:s23], $0x1  }
0xa3: {  	[sflag:s23] =	ssyncset.done $0x0  }
0xa4: {  	s25 =	simm.s32 $0x1B8E;
	s24 =	sld [smem:$0x3FFE];
	[sflag:s23] =	ssyncadd.s32 $0xFFFFFFFF  }
0xa5: {  	s26 =	simm.s32 $execute0_lowered;
	[smem:$0x3FD2] =	sst s25  }
0xa6: {  	s5 =	sshll.u32 s26, $0x1;
	_ =	strace $0x80000049;
	[dreg:$0x1] =	wrdreg $0xFFFFFFFF  }
0xa7: {  	s28 =	simm.s32 $_size_execute0_lowered;
	s3 =	sadd.s32 s3, s5;
	[dreg:$0x0] =	wrdreg $0x0  }
0xa8: {  	s5 =	sshll.u32 s28, $0x1;
	[dreg:$0x2] =	wrdreg s3  }
0xa9: {  	[dreg:$0x3] =	wrdreg s5  }
0xaa: {  	[dreg:$0x4] =	wrdreg $0xC0  }
0xab: {  	_ =	task [dreg:s7], $0x5FFFF  }
0xac: {  	[dreg:$0x1] =	wrdreg $0xFFFFFFFF  }
0xad: {  	[dreg:$0x0] =	wrdreg $0x60  }
0xae: {  	[dreg:$0x2] =	wrdreg s2  }
0xaf: {  	[dreg:$0x3] =	wrdreg s24  }
0xb0: {  	[dreg:$0x4] =	wrdreg $0xC0000  }
0xb1: {  	[dreg:$0x5] =	wrdreg $0x9  }
0xb2: {  	_ =	task.clear_ibuf [dreg:s7], $0x6FFFF;
	_ =	strace $0x90000049  }
0xb3: {  	s29 =	simm.s32 $0x9;
	_ =	strace $0x8000004B  }
0xb4: {  	_ =	swait.ge [sflag:s29], $0x1  }
0xb5: {  	[sflag:s29] =	ssyncadd.s32 $0xFFFFFFFF  }
0xb6: {  	_ =	strace $0x9000004B  }
0xb7: {  	_ =	sfence  }
0xb8: {  	s30 =	sld [smem:$0x0];
	_ =	sdelay $0x2  }
0xb9: {  	s31 =	sshll.u32 s1, $0xD;
	s1 =	sshrl.u32 s1, $0x2  }
0xba: {  	s3 =	sand.u32 $0x4000, s31;
	s1 =	sadd.s32 s1, s30  }
0xbb: {  	s0 =	sor.u32 s3, s0;
	s1 =	sshll.u32 s1, $0x11  }
0xbc: {  	s0 =	sor.u32 s1, s0  }
0xbd: {  	s0 =	sadd.s32 $0x8F2B, s0  }
0xbe: {  	[sflag:s0] =	ssyncadd.remote.s32 $0x1  }
0xbf: {  	_ =	sfence.sel $0xFFFF  }
0xc0: {  	[dreg:$0x0] =	wrdreg $0xFFFFFFFF;
	(pc) =	sbr.abs _section_cstart, $3  }
0xc1: {  	[dreg:$0x1] =	wrdreg $0xFFFFFFFF  }
0xc2: {  	_ =	task.clear_ibuf [dreg:s7], $0x2FFFF;
	_ =	strace $0x9FFFFFFF  }
0xc3: {  	(tm) =	ssettm $0x7FFFFFFF  }
tec
execute0_lowered:
.L_overlay_start_1:
0x0: {  	(tag) =	ssettag $0x1  }
0x1: {  	s0 =	rddreg [dreg:$0x0]  }
0x2: {  	s1 =	rddreg [dreg:$0x1];
	s8 =	stileid.u32  }
0x3: {  	s3 =	srdreg.scid;
	s2 =	rddreg [dreg:$0x2];
	s14 =	simm.s32 $0xA000  }
0x4: {  	s15 =	simm.s32 $0x5;
	s17 =	simm.s32 $0x7D;
	s18 =	simm.s32 $0x15E00  }
0x5: {  	s20 =	simm.s32 $0x17D40;
	s22 =	simm.s32 $0x19C80;
	s23 =	simm.s32 $0x1BBC0  }
0x6: {  	s24 =	simm.s32 $0x1;
	s25 =	simm.s32 $0x2;
	s4 =	smul.u32 $0xA00, s8  }
0x7: {  	s26 =	simm.s32 $0x3;
	s28 =	simm.s32 $0x4;
	s5 =	smul.u32 $0x13C0, s8  }
0x8: {  	s7 =	sand.u32 $0x1, s3;
	s3 =	simm.s32 $0x0;
	s8 =	smul.u32 $0x27800, s8  }
0x9: {  	s16 =	simm.s32 $0x9F80;
	s6 =	smul.u32 $0x13C00, s7;
	[smem:$0x7FF] =	sst s3  }
0xa: {  	s30 =	ssub.s32 $0x2, s7;
	s11 =	smul.u32 $0x13880, s7;
	_ =	strace $0x8000004A  }
0xb: {  	s10 =	sadd.s32 s4, s1;
	s31 =	sshrl.u32 s30, $0x1;
	s8 =	sshrl.u32 s8, $0x2  }
0xc: {  	s5 =	sadd.s32 s5, s6;
	s13 =	ssub.s32 s30, s31;
	s4 =	sadd.s32 s8, s2  }
0xd: {  	s9 =	sadd.s32 $0x15800, s10;
	s10 =	sadd.s32 $0xB800, s10;
	s11 =	sadd.s32 s0, s11  }
0xe: {  	s0 =	simm.s32 $0x0;
	s1 =	sadd.s32 s5, s1;
	s5 =	sadd.s32 $0x2000, s4  }
0xf: {  	s6 =	sadd.s32 $0x4000, s4;
	s7 =	sadd.s32 $0x6000, s4;
	s8 =	sadd.s32 $0x8000, s4  }
0x10: {  	v0 =	vimm.f32 $0.0e+00;
	s13 =	smax.u32 s13, $0x1;
	s12 =	sadd.s32 $0x6DA00, s1;
	s1 =	simm.s32 $0x9F00  }
.LBB2_1:
0x11: {  	s19 =	sand.u32 $0x7F00, s3  }
0x12: {  	s21 =	sand.u32 $0x30, s3;
	s29 =	sshrl.u32 s19, $0x2  }
0x13: {  	s19 =	simm.s32 $0x40;
	s29 =	sor.u32 s21, s29;
	s21 =	simm.s32 $0x0  }
.LBB2_2:
0x14: {  	p0 =	sne.s32 s19, $0x7FC0  }
0x15: {  	[tilespmem:s29+$0xA000] =	vst v0;
	s21 =	sadd.s32 $0x10, s21;
	s29 =	smov.u32 s19;
	s19 =	sadd.s32 $0x40, s19  }
.Ltmp0:
0x16: {  	(pc) =	sbr.rel @p0 .LBB2_2-.Ltmp0, $4  }
0x17: {  	_ = 	snop  }
0x18: {  	s29 =	sand.u32 $0x7F00, s29  }
0x19: {  	s30 =	sand.u32 $0x30, s21;
	s29 =	sshrl.u32 s29, $0x2  }
0x1a: {  	s29 =	sor.u32 s30, s29  }
0x1b: {  	[tilespmem:s29+$0xA000] =	vst v0  }
0x1c: {  	[spmem:s4] =	stream.linear.scatter [tilespmem:s14], [sflag:$0x5], $0x2000, $0x38;
	[tilespmem:$0x1DB00] =	vst v63  }
0x1d: {  	_ =	swait.ge [sflag:s15], $0x2000  }
0x1e: {  	[sflag:s15] =	ssyncset.done $0x0  }
0x1f: {  	[sflag:s15] =	ssyncadd.s32 $0xFFFFE000  }
0x20: {  	[spmem:s5] =	stream.linear.scatter [tilespmem:s14], [sflag:$0x5], $0x2000, $0x38;
	[tilespmem:$0x1DB00] =	vst v63  }
0x21: {  	_ =	swait.ge [sflag:s15], $0x2000  }
0x22: {  	[sflag:s15] =	ssyncset.done $0x0  }
0x23: {  	[sflag:s15] =	ssyncadd.s32 $0xFFFFE000  }
0x24: {  	[spmem:s6] =	stream.linear.scatter [tilespmem:s14], [sflag:$0x5], $0x2000, $0x38;
	[tilespmem:$0x1DB00] =	vst v63  }
0x25: {  	_ =	swait.ge [sflag:s15], $0x2000  }
0x26: {  	[sflag:s15] =	ssyncset.done $0x0  }
0x27: {  	[sflag:s15] =	ssyncadd.s32 $0xFFFFE000  }
0x28: {  	[spmem:s7] =	stream.linear.scatter [tilespmem:s14], [sflag:$0x5], $0x2000, $0x38;
	[tilespmem:$0x1DB00] =	vst v63  }
0x29: {  	_ =	swait.ge [sflag:s15], $0x2000  }
0x2a: {  	[sflag:s15] =	ssyncset.done $0x0  }
0x2b: {  	[sflag:s15] =	ssyncadd.s32 $0xFFFFE000  }
0x2c: {  	[spmem:s8] =	stream.linear.scatter [tilespmem:s14], [sflag:$0x5], $0x1E00, $0x38;
	[tilespmem:$0x1DB00] =	vst v63  }
0x2d: {  	_ =	swait.ge [sflag:s15], $0x1E00  }
0x2e: {  	[sflag:s15] =	ssyncset.done $0x0  }
0x2f: {  	[sflag:s15] =	ssyncadd.s32 $0xFFFFE200  }
0x30: {  	s19 =	simm.s32 $0x0;
	[bflag:$0x0] =	sbarrier.arrive $0xFFFF  }
0x31: {  	[tilespmem:s19], [sflag:$0x5] =	stream.linear.gather [hbm4b:s9+s19], $0x5000, $0x38;
	[tilespmem:$0x1DB00] =	vst v63  }
0x32: {  	_ =	swait.ge [sflag:s15], $0x5000  }
0x33: {  	[sflag:s15] =	ssyncset.done $0x0  }
0x34: {  	s21 =	simm.s32 $0x5000;
	[sflag:s15] =	ssyncadd.s32 $0xFFFFB000  }
0x35: {  	[tilespmem:s21], [sflag:$0x5] =	stream.linear.gather [hbm4b:s10+s19], $0x5000, $0x38;
	[tilespmem:$0x1DB00] =	vst v63  }
0x36: {  	_ =	swait.ge [sflag:s15], $0x5000  }
0x37: {  	[sflag:s15] =	ssyncset.done $0x0  }
0x38: {  	[sflag:s15] =	ssyncadd.s32 $0xFFFFB000  }
0x39: {  	[tilespmem:s18], [sflag:$0x1] =	stream.indirect.gather [hbm4b:s11+s17], $0x40, s19, s17, $0xb8;
	[tilespmem:$0x1DB00] =	vst v63  }
0x3a: {  	s30 =	simm.s32 $0x80  }
0x3b: {  	[tilespmem:s20], [sflag:$0x2] =	stream.indirect.gather [hbm4b:s11+s17], $0x40, s30, s17, $0xb8;
	[tilespmem:$0x1DB00] =	vst v63  }
0x3c: {  	s31 =	simm.s32 $0x100  }
0x3d: {  	[tilespmem:s22], [sflag:$0x3] =	stream.indirect.gather [hbm4b:s11+s17], $0x40, s31, s17, $0xb8;
	[tilespmem:$0x1DB00] =	vst v63  }
0x3e: {  	s21 =	simm.s32 $0x180  }
0x3f: {  	[tilespmem:s23], [sflag:$0x4] =	stream.indirect.gather [hbm4b:s11+s17], $0x40, s21, s17, $0xb8;
	[tilespmem:$0x1DB00] =	vst v63  }
0x40: {  	_ =	swait.ge [sflag:s24], $0x1F40  }
0x41: {  	[sflag:s24] =	ssyncset.done $0x0  }
0x42: {  	s29 =	simm.s32 $0x5000;
	[sflag:s24] =	ssyncadd.s32 $0xFFFFE0C0  }
0x43: {  	[spmem:s2] =	stream.indirect.scatter.add.f32 [tilespmem:s18], [sflag:$0x5], $0x40, s29, s17, $0xb8;
	[tilespmem:$0x1DB00] =	vst v63  }
0x44: {  	_ =	swait.ge [sflag:s15], $0x1F40  }
0x45: {  	[sflag:s15] =	ssyncset.done $0x0  }
0x46: {  	s30 =	simm.s32 $0x200;
	[sflag:s15] =	ssyncadd.s32 $0xFFFFE0C0  }
0x47: {  	[tilespmem:s18], [sflag:$0x1] =	stream.indirect.gather [hbm4b:s11+s17], $0x40, s30, s17, $0xb8;
	[tilespmem:$0x1DB00] =	vst v63  }
0x48: {  	_ =	swait.ge [sflag:s25], $0x1F40  }
0x49: {  	[sflag:s25] =	ssyncset.done $0x0  }
0x4a: {  	s31 =	simm.s32 $0x5080;
	[sflag:s25] =	ssyncadd.s32 $0xFFFFE0C0  }
0x4b: {  	[spmem:s2] =	stream.indirect.scatter.add.f32 [tilespmem:s20], [sflag:$0x5], $0x40, s31, s17, $0xb8;
	[tilespmem:$0x1DB00] =	vst v63  }
0x4c: {  	_ =	swait.ge [sflag:s15], $0x1F40  }
0x4d: {  	[sflag:s15] =	ssyncset.done $0x0  }
0x4e: {  	s21 =	simm.s32 $0x280;
	[sflag:s15] =	ssyncadd.s32 $0xFFFFE0C0  }
0x4f: {  	[tilespmem:s20], [sflag:$0x2] =	stream.indirect.gather [hbm4b:s11+s17], $0x40, s21, s17, $0xb8;
	[tilespmem:$0x1DB00] =	vst v63  }
0x50: {  	_ =	swait.ge [sflag:s26], $0x1F40  }
0x51: {  	[sflag:s26] =	ssyncset.done $0x0  }
0x52: {  	s29 =	simm.s32 $0x5100;
	[sflag:s26] =	ssyncadd.s32 $0xFFFFE0C0  }
0x53: {  	[spmem:s2] =	stream.indirect.scatter.add.f32 [tilespmem:s22], [sflag:$0x5], $0x40, s29, s17, $0xb8;
	[tilespmem:$0x1DB00] =	vst v63  }
0x54: {  	_ =	swait.ge [sflag:s15], $0x1F40  }
0x55: {  	[sflag:s15] =	ssyncset.done $0x0  }
0x56: {  	s30 =	simm.s32 $0x300;
	[sflag:s15] =	ssyncadd.s32 $0xFFFFE0C0  }
0x57: {  	[tilespmem:s22], [sflag:$0x3] =	stream.indirect.gather [hbm4b:s11+s17], $0x40, s30, s17, $0xb8;
	[tilespmem:$0x1DB00] =	vst v63  }
0x58: {  	_ =	swait.ge [sflag:s28], $0x1F40  }
0x59: {  	[sflag:s28] =	ssyncset.done $0x0  }
0x5a: {  	s31 =	simm.s32 $0x5180;
	[sflag:s28] =	ssyncadd.s32 $0xFFFFE0C0  }
0x5b: {  	[spmem:s2] =	stream.indirect.scatter.add.f32 [tilespmem:s23], [sflag:$0x5], $0x40, s31, s17, $0xb8;
	[tilespmem:$0x1DB00] =	vst v63  }
0x5c: {  	_ =	swait.ge [sflag:s15], $0x1F40  }
0x5d: {  	s19 =	simm.s32 $0x200;
	s21 =	simm.s32 $0x1000;
	[sflag:s15] =	ssyncset.done $0x0  }
.LBB2_4:
0x5e: {  	s31 =	sadd.s32 $0x180, s19  }
0x5f: {  	[sflag:s15] =	ssyncadd.s32 $0xFFFFE0C0;
	s29 =	smov.u32 s21;
	s30 =	sadd.s32 $0x800, s21  }
0x60: {  	[tilespmem:s23], [sflag:$0x4] =	stream.indirect.gather [hbm4b:s11+s17], $0x40, s31, s17, $0xb8;
	[tilespmem:$0x1DB00] =	vst v63  }
0x61: {  	p0 =	sne.s32 s21, $0x13000;
	_ =	swait.ge [sflag:s24], $0x1F40  }
0x62: {  	[sflag:s24] =	ssyncset.done $0x0  }
0x63: {  	s21 =	sadd.s32 $0x5000, s19;
	[sflag:s24] =	ssyncadd.s32 $0xFFFFE0C0  }
0x64: {  	[spmem:s2] =	stream.indirect.scatter.add.f32 [tilespmem:s18], [sflag:$0x5], $0x40, s21, s17, $0xb8;
	[tilespmem:$0x1DB00] =	vst v63  }
0x65: {  	_ =	swait.ge [sflag:s15], $0x1F40  }
0x66: {  	[sflag:s15] =	ssyncset.done $0x0  }
0x67: {  	s21 =	sadd.s32 $0x200, s19;
	[sflag:s15] =	ssyncadd.s32 $0xFFFFE0C0  }
0x68: {  	[tilespmem:s18], [sflag:$0x1] =	stream.indirect.gather [hbm4b:s11+s17], $0x40, s21, s17, $0xb8;
	[tilespmem:$0x1DB00] =	vst v63  }
0x69: {  	_ =	swait.ge [sflag:s25], $0x1F40  }
0x6a: {  	[sflag:s25] =	ssyncset.done $0x0  }
0x6b: {  	s21 =	sadd.s32 $0x5080, s19;
	[sflag:s25] =	ssyncadd.s32 $0xFFFFE0C0  }
0x6c: {  	[spmem:s2] =	stream.indirect.scatter.add.f32 [tilespmem:s20], [sflag:$0x5], $0x40, s21, s17, $0xb8;
	[tilespmem:$0x1DB00] =	vst v63  }
0x6d: {  	_ =	swait.ge [sflag:s15], $0x1F40  }
0x6e: {  	[sflag:s15] =	ssyncset.done $0x0  }
0x6f: {  	s21 =	sadd.s32 $0x280, s19;
	[sflag:s15] =	ssyncadd.s32 $0xFFFFE0C0  }
0x70: {  	[tilespmem:s20], [sflag:$0x2] =	stream.indirect.gather [hbm4b:s11+s17], $0x40, s21, s17, $0xb8;
	[tilespmem:$0x1DB00] =	vst v63  }
0x71: {  	_ =	swait.ge [sflag:s26], $0x1F40  }
0x72: {  	[sflag:s26] =	ssyncset.done $0x0  }
0x73: {  	s21 =	sadd.s32 $0x5100, s19;
	[sflag:s26] =	ssyncadd.s32 $0xFFFFE0C0  }
0x74: {  	[spmem:s2] =	stream.indirect.scatter.add.f32 [tilespmem:s22], [sflag:$0x5], $0x40, s21, s17, $0xb8;
	[tilespmem:$0x1DB00] =	vst v63  }
0x75: {  	_ =	swait.ge [sflag:s15], $0x1F40  }
0x76: {  	[sflag:s15] =	ssyncset.done $0x0  }
0x77: {  	s21 =	sadd.s32 $0x300, s19;
	[sflag:s15] =	ssyncadd.s32 $0xFFFFE0C0  }
0x78: {  	[tilespmem:s22], [sflag:$0x3] =	stream.indirect.gather [hbm4b:s11+s17], $0x40, s21, s17, $0xb8;
	[tilespmem:$0x1DB00] =	vst v63  }
0x79: {  	_ =	swait.ge [sflag:s28], $0x1F40  }
.Ltmp1:
0x7a: {  	[sflag:s28] =	ssyncset.done $0x0;
	(pc) =	sbr.rel @p0 .LBB2_4-.Ltmp1, $4  }
0x7b: {  	s19 =	sadd.s32 $0x5180, s19;
	[sflag:s28] =	ssyncadd.s32 $0xFFFFE0C0  }
0x7c: {  	[spmem:s2] =	stream.indirect.scatter.add.f32 [tilespmem:s23], [sflag:$0x5], $0x40, s19, s17, $0xb8;
	[tilespmem:$0x1DB00] =	vst v63  }
0x7d: {  	_ =	swait.ge [sflag:s15], $0x1F40  }
0x7e: {  	s21 =	smov.u32 s30;
	s19 =	sshra.s32 s29, $0x2;
	[sflag:s15] =	ssyncset.done $0x0  }
0x7f: {  	s21 =	sadd.s32 $0x180, s19;
	[sflag:s15] =	ssyncadd.s32 $0xFFFFE0C0  }
0x80: {  	[tilespmem:s23], [sflag:$0x4] =	stream.indirect.gather [hbm4b:s11+s17], $0x40, s21, s17, $0xb8;
	[tilespmem:$0x1DB00] =	vst v63  }
0x81: {  	_ =	swait.ge [sflag:s24], $0x1F40  }
0x82: {  	[sflag:s24] =	ssyncset.done $0x0  }
0x83: {  	s30 =	sadd.s32 $0x5000, s19;
	[sflag:s24] =	ssyncadd.s32 $0xFFFFE0C0  }
0x84: {  	[spmem:s2] =	stream.indirect.scatter.add.f32 [tilespmem:s18], [sflag:$0x5], $0x40, s30, s17, $0xb8;
	[tilespmem:$0x1DB00] =	vst v63  }
0x85: {  	_ =	swait.ge [sflag:s15], $0x1F40  }
0x86: {  	[sflag:s15] =	ssyncset.done $0x0  }
0x87: {  	s31 =	sadd.s32 $0x200, s19;
	[sflag:s15] =	ssyncadd.s32 $0xFFFFE0C0  }
0x88: {  	[tilespmem:s18], [sflag:$0x1] =	stream.indirect.gather [hbm4b:s11+s17], $0x40, s31, s17, $0xb8;
	[tilespmem:$0x1DB00] =	vst v63  }
0x89: {  	_ =	swait.ge [sflag:s25], $0x1F40  }
0x8a: {  	[sflag:s25] =	ssyncset.done $0x0  }
0x8b: {  	s29 =	sadd.s32 $0x5080, s19;
	[sflag:s25] =	ssyncadd.s32 $0xFFFFE0C0  }
0x8c: {  	[spmem:s2] =	stream.indirect.scatter.add.f32 [tilespmem:s20], [sflag:$0x5], $0x40, s29, s17, $0xb8;
	[tilespmem:$0x1DB00] =	vst v63  }
0x8d: {  	_ =	swait.ge [sflag:s15], $0x1F40  }
0x8e: {  	[sflag:s15] =	ssyncset.done $0x0  }
0x8f: {  	s30 =	sadd.s32 $0x280, s19;
	[sflag:s15] =	ssyncadd.s32 $0xFFFFE0C0  }
0x90: {  	[tilespmem:s20], [sflag:$0x2] =	stream.indirect.gather [hbm4b:s11+s17], $0x40, s30, s17, $0xb8;
	[tilespmem:$0x1DB00] =	vst v63  }
0x91: {  	_ =	swait.ge [sflag:s26], $0x1F40  }
0x92: {  	[sflag:s26] =	ssyncset.done $0x0  }
0x93: {  	s31 =	sadd.s32 $0x5100, s19;
	[sflag:s26] =	ssyncadd.s32 $0xFFFFE0C0  }
0x94: {  	[spmem:s2] =	stream.indirect.scatter.add.f32 [tilespmem:s22], [sflag:$0x5], $0x40, s31, s17, $0xb8;
	[tilespmem:$0x1DB00] =	vst v63  }
0x95: {  	_ =	swait.ge [sflag:s15], $0x1F40  }
0x96: {  	[sflag:s15] =	ssyncset.done $0x0  }
0x97: {  	s29 =	sadd.s32 $0x300, s19;
	[sflag:s15] =	ssyncadd.s32 $0xFFFFE0C0  }
0x98: {  	[tilespmem:s22], [sflag:$0x3] =	stream.indirect.gather [hbm4b:s11+s17], $0x40, s29, s17, $0xb8;
	[tilespmem:$0x1DB00] =	vst v63  }
0x99: {  	_ =	swait.ge [sflag:s28], $0x1F40  }
0x9a: {  	[sflag:s28] =	ssyncset.done $0x0  }
0x9b: {  	s30 =	sadd.s32 $0x5180, s19;
	[sflag:s28] =	ssyncadd.s32 $0xFFFFE0C0  }
0x9c: {  	[spmem:s2] =	stream.indirect.scatter.add.f32 [tilespmem:s23], [sflag:$0x5], $0x40, s30, s17, $0xb8;
	[tilespmem:$0x1DB00] =	vst v63  }
0x9d: {  	_ =	swait.ge [sflag:s15], $0x1F40  }
0x9e: {  	[sflag:s15] =	ssyncset.done $0x0  }
0x9f: {  	s31 =	simm.s32 $0x4F80;
	[sflag:s15] =	ssyncadd.s32 $0xFFFFE0C0  }
0xa0: {  	[tilespmem:s23], [sflag:$0x4] =	stream.indirect.gather [hbm4b:s11+s17], $0x40, s31, s17, $0xb8;
	[tilespmem:$0x1DB00] =	vst v63  }
0xa1: {  	_ =	swait.ge [sflag:s24], $0x1F40  }
0xa2: {  	[sflag:s24] =	ssyncset.done $0x0  }
0xa3: {  	s21 =	simm.s32 $0x9E00;
	[sflag:s24] =	ssyncadd.s32 $0xFFFFE0C0  }
0xa4: {  	[spmem:s2] =	stream.indirect.scatter.add.f32 [tilespmem:s18], [sflag:$0x5], $0x40, s21, s17, $0xb8;
	[tilespmem:$0x1DB00] =	vst v63  }
0xa5: {  	_ =	swait.ge [sflag:s15], $0x1F40  }
0xa6: {  	[sflag:s15] =	ssyncset.done $0x0  }
0xa7: {  	[sflag:s15] =	ssyncadd.s32 $0xFFFFE0C0  }
0xa8: {  	_ =	swait.ge [sflag:s25], $0x1F40  }
0xa9: {  	[sflag:s25] =	ssyncset.done $0x0  }
0xaa: {  	s29 =	simm.s32 $0x9E80;
	[sflag:s25] =	ssyncadd.s32 $0xFFFFE0C0  }
0xab: {  	[spmem:s2] =	stream.indirect.scatter.add.f32 [tilespmem:s20], [sflag:$0x5], $0x40, s29, s17, $0xb8;
	[tilespmem:$0x1DB00] =	vst v63  }
0xac: {  	_ =	swait.ge [sflag:s15], $0x1F40  }
0xad: {  	[sflag:s15] =	ssyncset.done $0x0  }
0xae: {  	[sflag:s15] =	ssyncadd.s32 $0xFFFFE0C0  }
0xaf: {  	_ =	swait.ge [sflag:s26], $0x1F40  }
0xb0: {  	[sflag:s26] =	ssyncset.done $0x0  }
0xb1: {  	[sflag:s26] =	ssyncadd.s32 $0xFFFFE0C0  }
0xb2: {  	[spmem:s2] =	stream.indirect.scatter.add.f32 [tilespmem:s22], [sflag:$0x5], $0x40, s1, s17, $0xb8;
	[tilespmem:$0x1DB00] =	vst v63  }
0xb3: {  	_ =	swait.ge [sflag:s15], $0x1F40  }
0xb4: {  	[sflag:s15] =	ssyncset.done $0x0  }
0xb5: {  	[sflag:s15] =	ssyncadd.s32 $0xFFFFE0C0  }
0xb6: {  	_ =	swait.ge [sflag:s28], $0x1F40  }
0xb7: {  	[sflag:s28] =	ssyncset.done $0x0  }
0xb8: {  	[sflag:s28] =	ssyncadd.s32 $0xFFFFE0C0  }
0xb9: {  	[spmem:s2] =	stream.indirect.scatter.add.f32 [tilespmem:s23], [sflag:$0x5], $0x40, s16, s17, $0xb8;
	[tilespmem:$0x1DB00] =	vst v63  }
0xba: {  	s30 =	stileid.u32;
	_ =	swait.ge [sflag:s15], $0x1F40  }
0xbb: {  	s0 =	sadd.s32 $0x1, s0;
	s19 =	sshll.u32 s30, $0x6;
	[sflag:s15] =	ssyncset.done $0x0  }
0xbc: {  	p0 =	sne.s32 s0, s13;
	s19 =	sor.u32 $0x1C05, s19;
	[sflag:s15] =	ssyncadd.s32 $0xFFFFE0C0  }
.Ltmp2:
0xbd: {  	s31 =	sshrl.u32 s4, $0x3;
	[bflag:$0x0] =	sbarrier.arrive $0xFFFF;
	(pc) =	sbr.rel @p0 .LBB2_1-.Ltmp2, $4  }
0xbe: {  	[hbm:s12], [sflag:s19] =	dma.local [spmem:s31], $0x13C0  }
0xbf: {  	_ =	swait.ge [sflag:s15], $0x13C0  }
0xc0: {  	[sflag:s15] =	ssyncset.done $0x0  }
0xc1: {  	[sflag:s15] =	ssyncadd.s32 $0xFFFFEC40  }
0xc2: {  	_ =	sfence.sel $0x180000  }
0xc3: {  	[bflag:$0x0] =	sbarrier.arrive $0xFFFF  }
0xc4: {  	_ =	strace $0x9000004A  }
0xc5: {  	s0 =	stileid.u32;
	[bflag:$0x2] =	sbarrier.arrive $0xFFFF  }
0xc6: {  	p0 =	sne.s32 s0, $0x0;
	s0 =	rddreg [dreg:$0x3]  }
0xc7: {  	s0 =	sadd.s32 @!p0 $0x100000, s0  }
0xc8: {  	[sflag:s0] =	ssyncadd.tile.s32 @!p0 $0x1;
	_ =	shalt  }
.Lfunc_end2:
_tile_overlayer_lowered:
.L_overlay_start_2:
0xc9: {  	(tag) =	ssettag $0x2  }
0xca: {  	s0 =	rddreg [dreg:$0x0];
	s2 =	stileid.u32  }
0xcb: {  	s1 =	rddreg [dreg:$0x1];
	p0 =	sne.s32 s2, $0x0  }
0xcc: {  	s3 =	rddreg [dreg:$0x2];
	[bflag:$0x3] =	sbarrier.arrive $0xFFFF;
	s2 =	simm.s32 @!p0 $0x1C05  }
0xcd: {  	[timem:s3], [sflag:s2] =	dma.local @!p0 [hbm:s0], s1  }
0xce: {  	s0 =	simm.s32 @!p0 $0x5  }
0xcf: {  	_ =	swait.ge @!p0 [sflag:s0], s1  }
0xd0: {  	s1 =	ssub.s32 @!p0 $0x0, s1;
	[sflag:s0] =	ssyncset.done @!p0 $0x0  }
0xd1: {  	[sflag:s0] =	ssyncadd.s32 @!p0 s1  }
0xd2: {  	[bflag:$0x3] =	sbarrier.arrive $0xFFFF  }
0xd3: {  	_ =	shalt  }

// kernel: kernel.14.cloned.1.call-start
scs
__scs_entry_jumppad:
0x0: {  	(pc) =	sbr.rel $0x88, $3  }
0x1: {  	(tag) =	ssettag $0x0;
	lr =	simm.s32 $0x1  }
0x2: {  	[smem:$0x3F9B] =	sst lr;
	_ =	strace $0xD0000000  }
0x3: {  	_ = 	snop  }
0x4: {  	_ = 	snop  }
0x5: {  	_ = 	snop  }
0x6: {  	_ = 	snop  }
0x7: {  	_ = 	snop  }
__scs_overlays_trampoline_lowered:
0x8: {  	[smem:$0x3FAA] =	sst s0  }
0x9: {  	[smem:$0x3FAB] =	sst s1  }
0xa: {  	[smem:$0x3FAC] =	sst s2  }
0xb: {  	[smem:$0x3FAD] =	sst s3  }
0xc: {  	[smem:$0x3FAE] =	sst s4  }
0xd: {  	[smem:$0x3FAF] =	sst s5  }
0xe: {  	[smem:$0x3FB0] =	sst s6  }
0xf: {  	[smem:$0x3FB1] =	sst s7  }
0x10: {  	[smem:$0x3FB2] =	sst s8  }
0x11: {  	[smem:$0x3FB3] =	sst s9;
	s0 =	simm.s32 @!p0 $0x0  }
0x12: {  	s1 =	sld [smem:$0x3F99];
	s0 =	simm.s32 @p0 $0x1  }
0x13: {  	[smem:$0x3FB4] =	sst s0;
	s0 =	simm.s32 @!p1 $0x0  }
0x14: {  	s2 =	sld [smem:$0x3F98];
	s0 =	simm.s32 @p1 $0x1  }
0x15: {  	[smem:$0x3FB5] =	sst s0;
	s0 =	simm.s32 @!p2 $0x0  }
0x16: {  	s3 =	sld [smem:$0x3FDB];
	s0 =	simm.s32 @p2 $0x1  }
0x17: {  	s4 =	simm.s32 $0x1BF5;
	[smem:$0x3FB7] =	sst s0  }
0x18: {  	s0 =	sld [smem:$0x3F9A];
	_ =	swait.ge [sflag:s4], $0x0  }
0x19: {  	s7 =	sld [smem:$0x3F9B]  }
0x1a: {  	s8 =	sadd.s32 $0xFFFFE003, lr  }
0x1b: {  	s9 =	sadd.s32 $0xFFFFFEF7, lr;
	s5 =	simm.s32 $0xFFFFFFFF;
	p2 =	slt.u32 s8, $0xFFFFF086  }
0x1c: {  	p1 =	slt.u32 s9, $0xF7A;
	s5 =	simm.s32 @!p2 $0x0  }
0x1d: {  	s5 =	simm.s32 @p1 $0x1;
	p0 =	seq.s32 s7, s2  }
0x1e: {  	s7 =	smul.u32 @!p0 $0xF7A, s2;
	p2 =	seq.s32 @!p0 s5, $0x0  }
0x1f: {  	s9 =	smul.u32 $0xF7A, s1;
	s8 =	simm.s32 @!p0 $0x1BF5;
	p2 =	por !p2, p0  }
0x20: {  	[sflag:s8] =	ssyncset.s32 @!p0 $0xFFFFF086;
	s6 =	sadd.s32 @!p0 s3, s7;
	s7 =	simm.s32 @!p0 $0x108  }
0x21: {  	s3 =	sadd.s32 s3, s9;
	s6 =	sadd.s32 @!p0 $0x88, s6;
	s7 =	simm.s32 @p2 $0x1082  }
0x22: {  	[simem:s7], [sflag:s8] =	dma.local @!p0 [hbm:s6], $0xF7A  }
0x23: {  	s9 =	sor.u32 $0xD0000000, s2;
	s6 =	simm.s32 $0x108;
	_ =	swait.ge @!p0 [sflag:s8], $0x0  }
0x24: {  	s3 =	sadd.s32 $0x88, s3;
	s6 =	simm.s32 @!p1 $0x1082;
	[sflag:s4] =	ssyncset.s32 $0xFFFFF086  }
0x25: {  	[simem:s6], [sflag:s4] =	dma.local [hbm:s3], $0xF7A  }
0x26: {  	[smem:$0x3F9B] =	sst s1;
	(tag) =	ssettag s2;
	_ =	strace s9  }
0x27: {  	s1 =	sld [smem:$0x3FAB]  }
0x28: {  	s2 =	sld [smem:$0x3FAC]  }
0x29: {  	s4 =	sld [smem:$0x3FAE]  }
0x2a: {  	p0 =	seq.s32 s5, $0x0;
	s5 =	sld [smem:$0x3FAF]  }
0x2b: {  	s6 =	sld [smem:$0x3FB0]  }
0x2c: {  	s7 =	sld [smem:$0x3FB1]  }
0x2d: {  	s3 =	simm.s32 $0x108;
	s8 =	sld [smem:$0x3FB2]  }
0x2e: {  	s3 =	simm.s32 @!p0 $0x1082;
	s9 =	sld [smem:$0x3FB3]  }
0x2f: {  	lr =	sadd.s32 s0, s3;
	s0 =	sld [smem:$0x3FAA]  }
0x30: {  	s3 =	sld [smem:$0x3FAD]  }
0x31: {  	[smem:$0x3FB6] =	sst s10  }
0x32: {  	s10 =	sld [smem:$0x3FB4];
	_ =	sdelay $0x3  }
0x33: {  	p0 =	seq.s32 s10, $0x1;
	s10 =	sld [smem:$0x3FB6];
	_ =	sdelay $0x3  }
0x34: {  	[smem:$0x3FB6] =	sst s10  }
0x35: {  	s10 =	sld [smem:$0x3FB5];
	_ =	sdelay $0x3  }
0x36: {  	p1 =	seq.s32 s10, $0x1;
	s10 =	sld [smem:$0x3FB6];
	_ =	sdelay $0x3  }
0x37: {  	[smem:$0x3FB6] =	sst s10  }
0x38: {  	s10 =	sld [smem:$0x3FB7]  }
0x39: {  	_ = 	snop;
	(pc) =	sbr.ind lr, $3  }
0x3a: {  	_ = 	snop  }
0x3b: {  	_ = 	snop  }
0x3c: {  	p2 =	seq.s32 s10, $0x1;
	s10 =	sld [smem:$0x3FB6]  }
0x3d: {  	_ =	shalt  }
0x3e: {  	_ =	shalt  }
0x3f: {  	_ =	shalt  }
0x40: {  	_ =	shalt  }
0x41: {  	_ =	shalt  }
0x42: {  	_ =	shalt  }
0x43: {  	_ =	shalt  }
0x44: {  	_ =	shalt  }
0x45: {  	_ =	shalt  }
0x46: {  	_ =	shalt  }
0x47: {  	_ =	shalt  }
0x48: {  	_ =	shalt  }
0x49: {  	_ =	shalt  }
0x4a: {  	_ =	shalt  }
0x4b: {  	_ =	shalt  }
0x4c: {  	_ =	shalt  }
0x4d: {  	_ =	shalt  }
0x4e: {  	_ =	shalt  }
0x4f: {  	_ =	shalt  }
0x50: {  	_ =	shalt  }
0x51: {  	_ =	shalt  }
0x52: {  	_ =	shalt  }
0x53: {  	_ =	shalt  }
0x54: {  	_ =	shalt  }
0x55: {  	_ =	shalt  }
0x56: {  	_ =	shalt  }
0x57: {  	_ =	shalt  }
0x58: {  	_ =	shalt  }
0x59: {  	_ =	shalt  }
0x5a: {  	_ =	shalt  }
0x5b: {  	_ =	shalt  }
0x5c: {  	_ =	shalt  }
0x5d: {  	_ =	shalt  }
0x5e: {  	_ =	shalt  }
0x5f: {  	_ =	shalt  }
0x60: {  	_ =	shalt  }
0x61: {  	_ =	shalt  }
0x62: {  	_ =	shalt  }
0x63: {  	_ =	shalt  }
0x64: {  	_ =	shalt  }
0x65: {  	_ =	shalt  }
0x66: {  	_ =	shalt  }
0x67: {  	_ =	shalt  }
0x68: {  	_ =	shalt  }
0x69: {  	_ =	shalt  }
0x6a: {  	_ =	shalt  }
0x6b: {  	_ =	shalt  }
0x6c: {  	_ =	shalt  }
0x6d: {  	_ =	shalt  }
0x6e: {  	_ =	shalt  }
0x6f: {  	_ =	shalt  }
0x70: {  	_ =	shalt  }
0x71: {  	_ =	shalt  }
0x72: {  	_ =	shalt  }
0x73: {  	_ =	shalt  }
0x74: {  	_ =	shalt  }
0x75: {  	_ =	shalt  }
0x76: {  	_ =	shalt  }
0x77: {  	_ =	shalt  }
0x78: {  	_ =	shalt  }
0x79: {  	_ =	shalt  }
0x7a: {  	_ =	shalt  }
0x7b: {  	_ =	shalt  }
0x7c: {  	_ =	shalt  }
0x7d: {  	_ =	shalt  }
0x7e: {  	_ =	shalt  }
0x7f: {  	_ =	shalt  }
0x80: {  	_ =	shalt  }
0x81: {  	_ =	shalt  }
0x82: {  	_ =	shalt  }
0x83: {  	_ =	shalt  }
0x84: {  	_ =	shalt  }
0x85: {  	_ =	shalt  }
0x86: {  	_ =	shalt  }
0x87: {  	_ =	shalt  }
.Lfunc_end0:
.L_simem_size_0:
called_computation.2_lowered:
.L_overlay_start_0:
0x88: {  	s2 =	sld [smem:$0x3FD9]  }
0x89: {  	s3 =	sld [smem:$0x3FFE];
	_ =	sdelay $0x1  }
0x8a: {  	s1 =	srdreg.scid  }
0x8b: {  	s0 =	sand.u32 $0x1, s1  }
0x8c: {  	s17 =	sshll.u32 s0, $0xA;
	s2 =	sadd.s32 s3, s2  }
0x8d: {  	s2 =	sadd.s32 s2, s17  }
0x8e: {  	[smem:$0x3FC2] =	sst s2  }
0x8f: {  	_ = 	snop  }
0x90: {  	s2 =	sld [smem:$0x3FD0];
	(tm) =	ssettm $0x1  }
0x91: {  	s18 =	sld [smem:$0x3FFB];
	_ =	sdelay $0x3  }
0x92: {  	_ =	strace s18  }
0x93: {  	s3 =	sld [smem:$0x3FFC];
	_ =	sdelay $0x3  }
0x94: {  	_ =	strace s3  }
0x95: {  	s3 =	sld [smem:$0x3FFD];
	_ =	sdelay $0x3  }
0x96: {  	_ =	strace s3  }
0x97: {  	_ =	strace $0x8FFFFFFF  }
0x98: {  	s19 =	sld [smem:$0x3FDB];
	_ =	sdelay $0x1  }
0x99: {  	s4 =	simm.s32 $_scs_section_size  }
0x9a: {  	s5 =	simm.s32 $_size__tile_overlayer_lowered;
	s6 =	simm.s32 $_tile_overlayer_lowered  }
0x9b: {  	s22 =	simm.s32 $0x1BFF;
	s21 =	sshll.u32 s6, $0x1;
	s3 =	sadd.s32 s4, s19  }
0x9c: {  	s7 =	simm.s32 $0x0;
	s20 =	sshll.u32 s5, $0x1;
	s5 =	sadd.s32 s21, s3  }
0x9d: {  	[timem:s7], [sflag:s22] =	dma.local [hbm:s5], s20  }
0x9e: {  	_ =	swait.ge [sflag:s22], s20  }
0x9f: {  	s4 =	ssub.s32 $0x0, s20;
	[sflag:s22] =	ssyncset.done $0x0  }
0xa0: {  	[sflag:s22] =	ssyncadd.s32 s4;
	_ =	sdelay $0x1  }
0xa1: {  	s23 =	simm.s32 $0x1B8B  }
0xa2: {  	_ =	swait.ge [sflag:s23], $0x1  }
0xa3: {  	[sflag:s23] =	ssyncset.done $0x0  }
0xa4: {  	s25 =	simm.s32 $0x1B8E;
	s24 =	sld [smem:$0x3FFE];
	[sflag:s23] =	ssyncadd.s32 $0xFFFFFFFF  }
0xa5: {  	s26 =	simm.s32 $execute0_lowered;
	[smem:$0x3FD2] =	sst s25  }
0xa6: {  	s5 =	sshll.u32 s26, $0x1;
	_ =	strace $0x8000004C;
	[dreg:$0x1] =	wrdreg $0xFFFFFFFF  }
0xa7: {  	s28 =	simm.s32 $_size_execute0_lowered;
	s3 =	sadd.s32 s3, s5;
	[dreg:$0x0] =	wrdreg $0x0  }
0xa8: {  	s5 =	sshll.u32 s28, $0x1;
	[dreg:$0x2] =	wrdreg s3  }
0xa9: {  	[dreg:$0x3] =	wrdreg s5  }
0xaa: {  	[dreg:$0x4] =	wrdreg $0xC0  }
0xab: {  	_ =	task [dreg:s7], $0x5FFFF  }
0xac: {  	[dreg:$0x1] =	wrdreg $0xFFFFFFFF  }
0xad: {  	[dreg:$0x0] =	wrdreg $0x60  }
0xae: {  	[dreg:$0x2] =	wrdreg s2  }
0xaf: {  	[dreg:$0x3] =	wrdreg s24  }
0xb0: {  	[dreg:$0x4] =	wrdreg $0xC0000  }
0xb1: {  	[dreg:$0x5] =	wrdreg $0x9  }
0xb2: {  	_ =	task.clear_ibuf [dreg:s7], $0x6FFFF;
	_ =	strace $0x9000004C  }
0xb3: {  	s29 =	simm.s32 $0x9;
	_ =	strace $0x8000004E  }
0xb4: {  	_ =	swait.ge [sflag:s29], $0x1  }
0xb5: {  	[sflag:s29] =	ssyncadd.s32 $0xFFFFFFFF  }
0xb6: {  	_ =	strace $0x9000004E  }
0xb7: {  	_ =	sfence  }
0xb8: {  	s30 =	sld [smem:$0x0];
	_ =	sdelay $0x2  }
0xb9: {  	s31 =	sshll.u32 s1, $0xD;
	s1 =	sshrl.u32 s1, $0x2  }
0xba: {  	s3 =	sand.u32 $0x4000, s31;
	s1 =	sadd.s32 s1, s30  }
0xbb: {  	s0 =	sor.u32 s3, s0;
	s1 =	sshll.u32 s1, $0x11  }
0xbc: {  	s0 =	sor.u32 s1, s0  }
0xbd: {  	s0 =	sadd.s32 $0x8F2B, s0  }
0xbe: {  	[sflag:s0] =	ssyncadd.remote.s32 $0x1  }
0xbf: {  	_ =	sfence.sel $0xFFFF  }
0xc0: {  	[dreg:$0x0] =	wrdreg $0xFFFFFFFF;
	(pc) =	sbr.abs _section_cstart, $3  }
0xc1: {  	[dreg:$0x1] =	wrdreg $0xFFFFFFFF  }
0xc2: {  	_ =	task.clear_ibuf [dreg:s7], $0x2FFFF;
	_ =	strace $0x9FFFFFFF  }
0xc3: {  	(tm) =	ssettm $0x7FFFFFFF  }
tec
execute0_lowered:
.L_overlay_start_1:
0x0: {  	(tag) =	ssettag $0x1  }
0x1: {  	s0 =	rddreg [dreg:$0x0]  }
0x2: {  	s1 =	rddreg [dreg:$0x1];
	s8 =	stileid.u32  }
0x3: {  	s3 =	srdreg.scid;
	s2 =	rddreg [dreg:$0x2];
	s14 =	simm.s32 $0xA000  }
0x4: {  	s15 =	simm.s32 $0x5;
	s17 =	simm.s32 $0x7D;
	s18 =	simm.s32 $0x15E00  }
0x5: {  	s20 =	simm.s32 $0x17D40;
	s22 =	simm.s32 $0x19C80;
	s23 =	simm.s32 $0x1BBC0  }
0x6: {  	s24 =	simm.s32 $0x1;
	s25 =	simm.s32 $0x2;
	s4 =	smul.u32 $0xA00, s8  }
0x7: {  	s26 =	simm.s32 $0x3;
	s28 =	simm.s32 $0x4;
	s5 =	smul.u32 $0x13C0, s8  }
0x8: {  	s7 =	sand.u32 $0x1, s3;
	s3 =	simm.s32 $0x0;
	s8 =	smul.u32 $0x27800, s8  }
0x9: {  	s16 =	simm.s32 $0x9F80;
	s6 =	smul.u32 $0x13C00, s7;
	[smem:$0x7FF] =	sst s3  }
0xa: {  	s30 =	ssub.s32 $0x2, s7;
	s11 =	smul.u32 $0x13880, s7;
	_ =	strace $0x8000004D  }
0xb: {  	s10 =	sadd.s32 s4, s1;
	s31 =	sshrl.u32 s30, $0x1;
	s8 =	sshrl.u32 s8, $0x2  }
0xc: {  	s5 =	sadd.s32 s5, s6;
	s13 =	ssub.s32 s30, s31;
	s4 =	sadd.s32 s8, s2  }
0xd: {  	s9 =	sadd.s32 $0x15800, s10;
	s10 =	sadd.s32 $0xB800, s10;
	s11 =	sadd.s32 s0, s11  }
0xe: {  	s0 =	simm.s32 $0x0;
	s1 =	sadd.s32 s5, s1;
	s5 =	sadd.s32 $0x2000, s4  }
0xf: {  	s6 =	sadd.s32 $0x4000, s4;
	s7 =	sadd.s32 $0x6000, s4;
	s8 =	sadd.s32 $0x8000, s4  }
0x10: {  	v0 =	vimm.f32 $0.0e+00;
	s13 =	smax.u32 s13, $0x1;
	s12 =	sadd.s32 $0x1F800, s1;
	s1 =	simm.s32 $0x9F00  }
.LBB2_1:
0x11: {  	s19 =	sand.u32 $0x7F00, s3  }
0x12: {  	s21 =	sand.u32 $0x30, s3;
	s29 =	sshrl.u32 s19, $0x2  }
0x13: {  	s19 =	simm.s32 $0x40;
	s29 =	sor.u32 s21, s29;
	s21 =	simm.s32 $0x0  }
.LBB2_2:
0x14: {  	p0 =	sne.s32 s19, $0x7FC0  }
0x15: {  	[tilespmem:s29+$0xA000] =	vst v0;
	s21 =	sadd.s32 $0x10, s21;
	s29 =	smov.u32 s19;
	s19 =	sadd.s32 $0x40, s19  }
.Ltmp0:
0x16: {  	(pc) =	sbr.rel @p0 .LBB2_2-.Ltmp0, $4  }
0x17: {  	_ = 	snop  }
0x18: {  	s29 =	sand.u32 $0x7F00, s29  }
0x19: {  	s30 =	sand.u32 $0x30, s21;
	s29 =	sshrl.u32 s29, $0x2  }
0x1a: {  	s29 =	sor.u32 s30, s29  }
0x1b: {  	[tilespmem:s29+$0xA000] =	vst v0  }
0x1c: {  	[spmem:s4] =	stream.linear.scatter [tilespmem:s14], [sflag:$0x5], $0x2000, $0x38;
	[tilespmem:$0x1DB00] =	vst v63  }
0x1d: {  	_ =	swait.ge [sflag:s15], $0x2000  }
0x1e: {  	[sflag:s15] =	ssyncset.done $0x0  }
0x1f: {  	[sflag:s15] =	ssyncadd.s32 $0xFFFFE000  }
0x20: {  	[spmem:s5] =	stream.linear.scatter [tilespmem:s14], [sflag:$0x5], $0x2000, $0x38;
	[tilespmem:$0x1DB00] =	vst v63  }
0x21: {  	_ =	swait.ge [sflag:s15], $0x2000  }
0x22: {  	[sflag:s15] =	ssyncset.done $0x0  }
0x23: {  	[sflag:s15] =	ssyncadd.s32 $0xFFFFE000  }
0x24: {  	[spmem:s6] =	stream.linear.scatter [tilespmem:s14], [sflag:$0x5], $0x2000, $0x38;
	[tilespmem:$0x1DB00] =	vst v63  }
0x25: {  	_ =	swait.ge [sflag:s15], $0x2000  }
0x26: {  	[sflag:s15] =	ssyncset.done $0x0  }
0x27: {  	[sflag:s15] =	ssyncadd.s32 $0xFFFFE000  }
0x28: {  	[spmem:s7] =	stream.linear.scatter [tilespmem:s14], [sflag:$0x5], $0x2000, $0x38;
	[tilespmem:$0x1DB00] =	vst v63  }
0x29: {  	_ =	swait.ge [sflag:s15], $0x2000  }
0x2a: {  	[sflag:s15] =	ssyncset.done $0x0  }
0x2b: {  	[sflag:s15] =	ssyncadd.s32 $0xFFFFE000  }
0x2c: {  	[spmem:s8] =	stream.linear.scatter [tilespmem:s14], [sflag:$0x5], $0x1E00, $0x38;
	[tilespmem:$0x1DB00] =	vst v63  }
0x2d: {  	_ =	swait.ge [sflag:s15], $0x1E00  }
0x2e: {  	[sflag:s15] =	ssyncset.done $0x0  }
0x2f: {  	[sflag:s15] =	ssyncadd.s32 $0xFFFFE200  }
0x30: {  	s19 =	simm.s32 $0x0;
	[bflag:$0x0] =	sbarrier.arrive $0xFFFF  }
0x31: {  	[tilespmem:s19], [sflag:$0x5] =	stream.linear.gather [hbm4b:s9+s19], $0x5000, $0x38;
	[tilespmem:$0x1DB00] =	vst v63  }
0x32: {  	_ =	swait.ge [sflag:s15], $0x5000  }
0x33: {  	[sflag:s15] =	ssyncset.done $0x0  }
0x34: {  	s21 =	simm.s32 $0x5000;
	[sflag:s15] =	ssyncadd.s32 $0xFFFFB000  }
0x35: {  	[tilespmem:s21], [sflag:$0x5] =	stream.linear.gather [hbm4b:s10+s19], $0x5000, $0x38;
	[tilespmem:$0x1DB00] =	vst v63  }
0x36: {  	_ =	swait.ge [sflag:s15], $0x5000  }
0x37: {  	[sflag:s15] =	ssyncset.done $0x0  }
0x38: {  	[sflag:s15] =	ssyncadd.s32 $0xFFFFB000  }
0x39: {  	[tilespmem:s18], [sflag:$0x1] =	stream.indirect.gather [hbm4b:s11+s17], $0x40, s19, s17, $0xb8;
	[tilespmem:$0x1DB00] =	vst v63  }
0x3a: {  	s30 =	simm.s32 $0x80  }
0x3b: {  	[tilespmem:s20], [sflag:$0x2] =	stream.indirect.gather [hbm4b:s11+s17], $0x40, s30, s17, $0xb8;
	[tilespmem:$0x1DB00] =	vst v63  }
0x3c: {  	s31 =	simm.s32 $0x100  }
0x3d: {  	[tilespmem:s22], [sflag:$0x3] =	stream.indirect.gather [hbm4b:s11+s17], $0x40, s31, s17, $0xb8;
	[tilespmem:$0x1DB00] =	vst v63  }
0x3e: {  	s21 =	simm.s32 $0x180  }
0x3f: {  	[tilespmem:s23], [sflag:$0x4] =	stream.indirect.gather [hbm4b:s11+s17], $0x40, s21, s17, $0xb8;
	[tilespmem:$0x1DB00] =	vst v63  }
0x40: {  	_ =	swait.ge [sflag:s24], $0x1F40  }
0x41: {  	[sflag:s24] =	ssyncset.done $0x0  }
0x42: {  	s29 =	simm.s32 $0x5000;
	[sflag:s24] =	ssyncadd.s32 $0xFFFFE0C0  }
0x43: {  	[spmem:s2] =	stream.indirect.scatter.add.f32 [tilespmem:s18], [sflag:$0x5], $0x40, s29, s17, $0xb8;
	[tilespmem:$0x1DB00] =	vst v63  }
0x44: {  	_ =	swait.ge [sflag:s15], $0x1F40  }
0x45: {  	[sflag:s15] =	ssyncset.done $0x0  }
0x46: {  	s30 =	simm.s32 $0x200;
	[sflag:s15] =	ssyncadd.s32 $0xFFFFE0C0  }
0x47: {  	[tilespmem:s18], [sflag:$0x1] =	stream.indirect.gather [hbm4b:s11+s17], $0x40, s30, s17, $0xb8;
	[tilespmem:$0x1DB00] =	vst v63  }
0x48: {  	_ =	swait.ge [sflag:s25], $0x1F40  }
0x49: {  	[sflag:s25] =	ssyncset.done $0x0  }
0x4a: {  	s31 =	simm.s32 $0x5080;
	[sflag:s25] =	ssyncadd.s32 $0xFFFFE0C0  }
0x4b: {  	[spmem:s2] =	stream.indirect.scatter.add.f32 [tilespmem:s20], [sflag:$0x5], $0x40, s31, s17, $0xb8;
	[tilespmem:$0x1DB00] =	vst v63  }
0x4c: {  	_ =	swait.ge [sflag:s15], $0x1F40  }
0x4d: {  	[sflag:s15] =	ssyncset.done $0x0  }
0x4e: {  	s21 =	simm.s32 $0x280;
	[sflag:s15] =	ssyncadd.s32 $0xFFFFE0C0  }
0x4f: {  	[tilespmem:s20], [sflag:$0x2] =	stream.indirect.gather [hbm4b:s11+s17], $0x40, s21, s17, $0xb8;
	[tilespmem:$0x1DB00] =	vst v63  }
0x50: {  	_ =	swait.ge [sflag:s26], $0x1F40  }
0x51: {  	[sflag:s26] =	ssyncset.done $0x0  }
0x52: {  	s29 =	simm.s32 $0x5100;
	[sflag:s26] =	ssyncadd.s32 $0xFFFFE0C0  }
0x53: {  	[spmem:s2] =	stream.indirect.scatter.add.f32 [tilespmem:s22], [sflag:$0x5], $0x40, s29, s17, $0xb8;
	[tilespmem:$0x1DB00] =	vst v63  }
0x54: {  	_ =	swait.ge [sflag:s15], $0x1F40  }
0x55: {  	[sflag:s15] =	ssyncset.done $0x0  }
0x56: {  	s30 =	simm.s32 $0x300;
	[sflag:s15] =	ssyncadd.s32 $0xFFFFE0C0  }
0x57: {  	[tilespmem:s22], [sflag:$0x3] =	stream.indirect.gather [hbm4b:s11+s17], $0x40, s30, s17, $0xb8;
	[tilespmem:$0x1DB00] =	vst v63  }
0x58: {  	_ =	swait.ge [sflag:s28], $0x1F40  }
0x59: {  	[sflag:s28] =	ssyncset.done $0x0  }
0x5a: {  	s31 =	simm.s32 $0x5180;
	[sflag:s28] =	ssyncadd.s32 $0xFFFFE0C0  }
0x5b: {  	[spmem:s2] =	stream.indirect.scatter.add.f32 [tilespmem:s23], [sflag:$0x5], $0x40, s31, s17, $0xb8;
	[tilespmem:$0x1DB00] =	vst v63  }
0x5c: {  	_ =	swait.ge [sflag:s15], $0x1F40  }
0x5d: {  	s19 =	simm.s32 $0x200;
	s21 =	simm.s32 $0x1000;
	[sflag:s15] =	ssyncset.done $0x0  }
.LBB2_4:
0x5e: {  	s31 =	sadd.s32 $0x180, s19  }
0x5f: {  	[sflag:s15] =	ssyncadd.s32 $0xFFFFE0C0;
	s29 =	smov.u32 s21;
	s30 =	sadd.s32 $0x800, s21  }
0x60: {  	[tilespmem:s23], [sflag:$0x4] =	stream.indirect.gather [hbm4b:s11+s17], $0x40, s31, s17, $0xb8;
	[tilespmem:$0x1DB00] =	vst v63  }
0x61: {  	p0 =	sne.s32 s21, $0x13000;
	_ =	swait.ge [sflag:s24], $0x1F40  }
0x62: {  	[sflag:s24] =	ssyncset.done $0x0  }
0x63: {  	s21 =	sadd.s32 $0x5000, s19;
	[sflag:s24] =	ssyncadd.s32 $0xFFFFE0C0  }
0x64: {  	[spmem:s2] =	stream.indirect.scatter.add.f32 [tilespmem:s18], [sflag:$0x5], $0x40, s21, s17, $0xb8;
	[tilespmem:$0x1DB00] =	vst v63  }
0x65: {  	_ =	swait.ge [sflag:s15], $0x1F40  }
0x66: {  	[sflag:s15] =	ssyncset.done $0x0  }
0x67: {  	s21 =	sadd.s32 $0x200, s19;
	[sflag:s15] =	ssyncadd.s32 $0xFFFFE0C0  }
0x68: {  	[tilespmem:s18], [sflag:$0x1] =	stream.indirect.gather [hbm4b:s11+s17], $0x40, s21, s17, $0xb8;
	[tilespmem:$0x1DB00] =	vst v63  }
0x69: {  	_ =	swait.ge [sflag:s25], $0x1F40  }
0x6a: {  	[sflag:s25] =	ssyncset.done $0x0  }
0x6b: {  	s21 =	sadd.s32 $0x5080, s19;
	[sflag:s25] =	ssyncadd.s32 $0xFFFFE0C0  }
0x6c: {  	[spmem:s2] =	stream.indirect.scatter.add.f32 [tilespmem:s20], [sflag:$0x5], $0x40, s21, s17, $0xb8;
	[tilespmem:$0x1DB00] =	vst v63  }
0x6d: {  	_ =	swait.ge [sflag:s15], $0x1F40  }
0x6e: {  	[sflag:s15] =	ssyncset.done $0x0  }
0x6f: {  	s21 =	sadd.s32 $0x280, s19;
	[sflag:s15] =	ssyncadd.s32 $0xFFFFE0C0  }
0x70: {  	[tilespmem:s20], [sflag:$0x2] =	stream.indirect.gather [hbm4b:s11+s17], $0x40, s21, s17, $0xb8;
	[tilespmem:$0x1DB00] =	vst v63  }
0x71: {  	_ =	swait.ge [sflag:s26], $0x1F40  }
0x72: {  	[sflag:s26] =	ssyncset.done $0x0  }
0x73: {  	s21 =	sadd.s32 $0x5100, s19;
	[sflag:s26] =	ssyncadd.s32 $0xFFFFE0C0  }
0x74: {  	[spmem:s2] =	stream.indirect.scatter.add.f32 [tilespmem:s22], [sflag:$0x5], $0x40, s21, s17, $0xb8;
	[tilespmem:$0x1DB00] =	vst v63  }
0x75: {  	_ =	swait.ge [sflag:s15], $0x1F40  }
0x76: {  	[sflag:s15] =	ssyncset.done $0x0  }
0x77: {  	s21 =	sadd.s32 $0x300, s19;
	[sflag:s15] =	ssyncadd.s32 $0xFFFFE0C0  }
0x78: {  	[tilespmem:s22], [sflag:$0x3] =	stream.indirect.gather [hbm4b:s11+s17], $0x40, s21, s17, $0xb8;
	[tilespmem:$0x1DB00] =	vst v63  }
0x79: {  	_ =	swait.ge [sflag:s28], $0x1F40  }
.Ltmp1:
0x7a: {  	[sflag:s28] =	ssyncset.done $0x0;
	(pc) =	sbr.rel @p0 .LBB2_4-.Ltmp1, $4  }
0x7b: {  	s19 =	sadd.s32 $0x5180, s19;
	[sflag:s28] =	ssyncadd.s32 $0xFFFFE0C0  }
0x7c: {  	[spmem:s2] =	stream.indirect.scatter.add.f32 [tilespmem:s23], [sflag:$0x5], $0x40, s19, s17, $0xb8;
	[tilespmem:$0x1DB00] =	vst v63  }
0x7d: {  	_ =	swait.ge [sflag:s15], $0x1F40  }
0x7e: {  	s21 =	smov.u32 s30;
	s19 =	sshra.s32 s29, $0x2;
	[sflag:s15] =	ssyncset.done $0x0  }
0x7f: {  	s21 =	sadd.s32 $0x180, s19;
	[sflag:s15] =	ssyncadd.s32 $0xFFFFE0C0  }
0x80: {  	[tilespmem:s23], [sflag:$0x4] =	stream.indirect.gather [hbm4b:s11+s17], $0x40, s21, s17, $0xb8;
	[tilespmem:$0x1DB00] =	vst v63  }
0x81: {  	_ =	swait.ge [sflag:s24], $0x1F40  }
0x82: {  	[sflag:s24] =	ssyncset.done $0x0  }
0x83: {  	s30 =	sadd.s32 $0x5000, s19;
	[sflag:s24] =	ssyncadd.s32 $0xFFFFE0C0  }
0x84: {  	[spmem:s2] =	stream.indirect.scatter.add.f32 [tilespmem:s18], [sflag:$0x5], $0x40, s30, s17, $0xb8;
	[tilespmem:$0x1DB00] =	vst v63  }
0x85: {  	_ =	swait.ge [sflag:s15], $0x1F40  }
0x86: {  	[sflag:s15] =	ssyncset.done $0x0  }
0x87: {  	s31 =	sadd.s32 $0x200, s19;
	[sflag:s15] =	ssyncadd.s32 $0xFFFFE0C0  }
0x88: {  	[tilespmem:s18], [sflag:$0x1] =	stream.indirect.gather [hbm4b:s11+s17], $0x40, s31, s17, $0xb8;
	[tilespmem:$0x1DB00] =	vst v63  }
0x89: {  	_ =	swait.ge [sflag:s25], $0x1F40  }
0x8a: {  	[sflag:s25] =	ssyncset.done $0x0  }
0x8b: {  	s29 =	sadd.s32 $0x5080, s19;
	[sflag:s25] =	ssyncadd.s32 $0xFFFFE0C0  }
0x8c: {  	[spmem:s2] =	stream.indirect.scatter.add.f32 [tilespmem:s20], [sflag:$0x5], $0x40, s29, s17, $0xb8;
	[tilespmem:$0x1DB00] =	vst v63  }
0x8d: {  	_ =	swait.ge [sflag:s15], $0x1F40  }
0x8e: {  	[sflag:s15] =	ssyncset.done $0x0  }
0x8f: {  	s30 =	sadd.s32 $0x280, s19;
	[sflag:s15] =	ssyncadd.s32 $0xFFFFE0C0  }
0x90: {  	[tilespmem:s20], [sflag:$0x2] =	stream.indirect.gather [hbm4b:s11+s17], $0x40, s30, s17, $0xb8;
	[tilespmem:$0x1DB00] =	vst v63  }
0x91: {  	_ =	swait.ge [sflag:s26], $0x1F40  }
0x92: {  	[sflag:s26] =	ssyncset.done $0x0  }
0x93: {  	s31 =	sadd.s32 $0x5100, s19;
	[sflag:s26] =	ssyncadd.s32 $0xFFFFE0C0  }
0x94: {  	[spmem:s2] =	stream.indirect.scatter.add.f32 [tilespmem:s22], [sflag:$0x5], $0x40, s31, s17, $0xb8;
	[tilespmem:$0x1DB00] =	vst v63  }
0x95: {  	_ =	swait.ge [sflag:s15], $0x1F40  }
0x96: {  	[sflag:s15] =	ssyncset.done $0x0  }
0x97: {  	s29 =	sadd.s32 $0x300, s19;
	[sflag:s15] =	ssyncadd.s32 $0xFFFFE0C0  }
0x98: {  	[tilespmem:s22], [sflag:$0x3] =	stream.indirect.gather [hbm4b:s11+s17], $0x40, s29, s17, $0xb8;
	[tilespmem:$0x1DB00] =	vst v63  }
0x99: {  	_ =	swait.ge [sflag:s28], $0x1F40  }
0x9a: {  	[sflag:s28] =	ssyncset.done $0x0  }
0x9b: {  	s30 =	sadd.s32 $0x5180, s19;
	[sflag:s28] =	ssyncadd.s32 $0xFFFFE0C0  }
0x9c: {  	[spmem:s2] =	stream.indirect.scatter.add.f32 [tilespmem:s23], [sflag:$0x5], $0x40, s30, s17, $0xb8;
	[tilespmem:$0x1DB00] =	vst v63  }
0x9d: {  	_ =	swait.ge [sflag:s15], $0x1F40  }
0x9e: {  	[sflag:s15] =	ssyncset.done $0x0  }
0x9f: {  	s31 =	simm.s32 $0x4F80;
	[sflag:s15] =	ssyncadd.s32 $0xFFFFE0C0  }
0xa0: {  	[tilespmem:s23], [sflag:$0x4] =	stream.indirect.gather [hbm4b:s11+s17], $0x40, s31, s17, $0xb8;
	[tilespmem:$0x1DB00] =	vst v63  }
0xa1: {  	_ =	swait.ge [sflag:s24], $0x1F40  }
0xa2: {  	[sflag:s24] =	ssyncset.done $0x0  }
0xa3: {  	s21 =	simm.s32 $0x9E00;
	[sflag:s24] =	ssyncadd.s32 $0xFFFFE0C0  }
0xa4: {  	[spmem:s2] =	stream.indirect.scatter.add.f32 [tilespmem:s18], [sflag:$0x5], $0x40, s21, s17, $0xb8;
	[tilespmem:$0x1DB00] =	vst v63  }
0xa5: {  	_ =	swait.ge [sflag:s15], $0x1F40  }
0xa6: {  	[sflag:s15] =	ssyncset.done $0x0  }
0xa7: {  	[sflag:s15] =	ssyncadd.s32 $0xFFFFE0C0  }
0xa8: {  	_ =	swait.ge [sflag:s25], $0x1F40  }
0xa9: {  	[sflag:s25] =	ssyncset.done $0x0  }
0xaa: {  	s29 =	simm.s32 $0x9E80;
	[sflag:s25] =	ssyncadd.s32 $0xFFFFE0C0  }
0xab: {  	[spmem:s2] =	stream.indirect.scatter.add.f32 [tilespmem:s20], [sflag:$0x5], $0x40, s29, s17, $0xb8;
	[tilespmem:$0x1DB00] =	vst v63  }
0xac: {  	_ =	swait.ge [sflag:s15], $0x1F40  }
0xad: {  	[sflag:s15] =	ssyncset.done $0x0  }
0xae: {  	[sflag:s15] =	ssyncadd.s32 $0xFFFFE0C0  }
0xaf: {  	_ =	swait.ge [sflag:s26], $0x1F40  }
0xb0: {  	[sflag:s26] =	ssyncset.done $0x0  }
0xb1: {  	[sflag:s26] =	ssyncadd.s32 $0xFFFFE0C0  }
0xb2: {  	[spmem:s2] =	stream.indirect.scatter.add.f32 [tilespmem:s22], [sflag:$0x5], $0x40, s1, s17, $0xb8;
	[tilespmem:$0x1DB00] =	vst v63  }
0xb3: {  	_ =	swait.ge [sflag:s15], $0x1F40  }
0xb4: {  	[sflag:s15] =	ssyncset.done $0x0  }
0xb5: {  	[sflag:s15] =	ssyncadd.s32 $0xFFFFE0C0  }
0xb6: {  	_ =	swait.ge [sflag:s28], $0x1F40  }
0xb7: {  	[sflag:s28] =	ssyncset.done $0x0  }
0xb8: {  	[sflag:s28] =	ssyncadd.s32 $0xFFFFE0C0  }
0xb9: {  	[spmem:s2] =	stream.indirect.scatter.add.f32 [tilespmem:s23], [sflag:$0x5], $0x40, s16, s17, $0xb8;
	[tilespmem:$0x1DB00] =	vst v63  }
0xba: {  	s30 =	stileid.u32;
	_ =	swait.ge [sflag:s15], $0x1F40  }
0xbb: {  	s0 =	sadd.s32 $0x1, s0;
	s19 =	sshll.u32 s30, $0x6;
	[sflag:s15] =	ssyncset.done $0x0  }
0xbc: {  	p0 =	sne.s32 s0, s13;
	s19 =	sor.u32 $0x1C05, s19;
	[sflag:s15] =	ssyncadd.s32 $0xFFFFE0C0  }
.Ltmp2:
0xbd: {  	s31 =	sshrl.u32 s4, $0x3;
	[bflag:$0x0] =	sbarrier.arrive $0xFFFF;
	(pc) =	sbr.rel @p0 .LBB2_1-.Ltmp2, $4  }
0xbe: {  	[hbm:s12], [sflag:s19] =	dma.local [spmem:s31], $0x13C0  }
0xbf: {  	_ =	swait.ge [sflag:s15], $0x13C0  }
0xc0: {  	[sflag:s15] =	ssyncset.done $0x0  }
0xc1: {  	[sflag:s15] =	ssyncadd.s32 $0xFFFFEC40  }
0xc2: {  	_ =	sfence.sel $0x180000  }
0xc3: {  	[bflag:$0x0] =	sbarrier.arrive $0xFFFF  }
0xc4: {  	_ =	strace $0x9000004D  }
0xc5: {  	s0 =	stileid.u32;
	[bflag:$0x2] =	sbarrier.arrive $0xFFFF  }
0xc6: {  	p0 =	sne.s32 s0, $0x0;
	s0 =	rddreg [dreg:$0x3]  }
0xc7: {  	s0 =	sadd.s32 @!p0 $0x100000, s0  }
0xc8: {  	[sflag:s0] =	ssyncadd.tile.s32 @!p0 $0x1;
	_ =	shalt  }
.Lfunc_end2:
_tile_overlayer_lowered:
.L_overlay_start_2:
0xc9: {  	(tag) =	ssettag $0x2  }
0xca: {  	s0 =	rddreg [dreg:$0x0];
	s2 =	stileid.u32  }
0xcb: {  	s1 =	rddreg [dreg:$0x1];
	p0 =	sne.s32 s2, $0x0  }
0xcc: {  	s3 =	rddreg [dreg:$0x2];
	[bflag:$0x3] =	sbarrier.arrive $0xFFFF;
	s2 =	simm.s32 @!p0 $0x1C05  }
0xcd: {  	[timem:s3], [sflag:s2] =	dma.local @!p0 [hbm:s0], s1  }
0xce: {  	s0 =	simm.s32 @!p0 $0x5  }
0xcf: {  	_ =	swait.ge @!p0 [sflag:s0], s1  }
0xd0: {  	s1 =	ssub.s32 @!p0 $0x0, s1;
	[sflag:s0] =	ssyncset.done @!p0 $0x0  }
0xd1: {  	[sflag:s0] =	ssyncadd.s32 @!p0 s1  }
0xd2: {  	[bflag:$0x3] =	sbarrier.arrive $0xFFFF  }
0xd3: {  	_ =	shalt  }

// kernel: kernel.8.cloned.1.call-start
scs
__scs_entry_jumppad:
0x0: {  	(pc) =	sbr.rel $0x88, $3  }
0x1: {  	(tag) =	ssettag $0x0;
	lr =	simm.s32 $0x1  }
0x2: {  	[smem:$0x3F9B] =	sst lr;
	_ =	strace $0xD0000000  }
0x3: {  	_ = 	snop  }
0x4: {  	_ = 	snop  }
0x5: {  	_ = 	snop  }
0x6: {  	_ = 	snop  }
0x7: {  	_ = 	snop  }
__scs_overlays_trampoline_lowered:
0x8: {  	[smem:$0x3FAA] =	sst s0  }
0x9: {  	[smem:$0x3FAB] =	sst s1  }
0xa: {  	[smem:$0x3FAC] =	sst s2  }
0xb: {  	[smem:$0x3FAD] =	sst s3  }
0xc: {  	[smem:$0x3FAE] =	sst s4  }
0xd: {  	[smem:$0x3FAF] =	sst s5  }
0xe: {  	[smem:$0x3FB0] =	sst s6  }
0xf: {  	[smem:$0x3FB1] =	sst s7  }
0x10: {  	[smem:$0x3FB2] =	sst s8  }
0x11: {  	[smem:$0x3FB3] =	sst s9;
	s0 =	simm.s32 @!p0 $0x0  }
0x12: {  	s1 =	sld [smem:$0x3F99];
	s0 =	simm.s32 @p0 $0x1  }
0x13: {  	[smem:$0x3FB4] =	sst s0;
	s0 =	simm.s32 @!p1 $0x0  }
0x14: {  	s2 =	sld [smem:$0x3F98];
	s0 =	simm.s32 @p1 $0x1  }
0x15: {  	[smem:$0x3FB5] =	sst s0;
	s0 =	simm.s32 @!p2 $0x0  }
0x16: {  	s3 =	sld [smem:$0x3FDB];
	s0 =	simm.s32 @p2 $0x1  }
0x17: {  	s4 =	simm.s32 $0x1BF5;
	[smem:$0x3FB7] =	sst s0  }
0x18: {  	s0 =	sld [smem:$0x3F9A];
	_ =	swait.ge [sflag:s4], $0x0  }
0x19: {  	s7 =	sld [smem:$0x3F9B]  }
0x1a: {  	s8 =	sadd.s32 $0xFFFFE003, lr  }
0x1b: {  	s9 =	sadd.s32 $0xFFFFFEF7, lr;
	s5 =	simm.s32 $0xFFFFFFFF;
	p2 =	slt.u32 s8, $0xFFFFF086  }
0x1c: {  	p1 =	slt.u32 s9, $0xF7A;
	s5 =	simm.s32 @!p2 $0x0  }
0x1d: {  	s5 =	simm.s32 @p1 $0x1;
	p0 =	seq.s32 s7, s2  }
0x1e: {  	s7 =	smul.u32 @!p0 $0xF7A, s2;
	p2 =	seq.s32 @!p0 s5, $0x0  }
0x1f: {  	s9 =	smul.u32 $0xF7A, s1;
	s8 =	simm.s32 @!p0 $0x1BF5;
	p2 =	por !p2, p0  }
0x20: {  	[sflag:s8] =	ssyncset.s32 @!p0 $0xFFFFF086;
	s6 =	sadd.s32 @!p0 s3, s7;
	s7 =	simm.s32 @!p0 $0x108  }
0x21: {  	s3 =	sadd.s32 s3, s9;
	s6 =	sadd.s32 @!p0 $0x88, s6;
	s7 =	simm.s32 @p2 $0x1082  }
0x22: {  	[simem:s7], [sflag:s8] =	dma.local @!p0 [hbm:s6], $0xF7A  }
0x23: {  	s9 =	sor.u32 $0xD0000000, s2;
	s6 =	simm.s32 $0x108;
	_ =	swait.ge @!p0 [sflag:s8], $0x0  }
0x24: {  	s3 =	sadd.s32 $0x88, s3;
	s6 =	simm.s32 @!p1 $0x1082;
	[sflag:s4] =	ssyncset.s32 $0xFFFFF086  }
0x25: {  	[simem:s6], [sflag:s4] =	dma.local [hbm:s3], $0xF7A  }
0x26: {  	[smem:$0x3F9B] =	sst s1;
	(tag) =	ssettag s2;
	_ =	strace s9  }
0x27: {  	s1 =	sld [smem:$0x3FAB]  }
0x28: {  	s2 =	sld [smem:$0x3FAC]  }
0x29: {  	s4 =	sld [smem:$0x3FAE]  }
0x2a: {  	p0 =	seq.s32 s5, $0x0;
	s5 =	sld [smem:$0x3FAF]  }
0x2b: {  	s6 =	sld [smem:$0x3FB0]  }
0x2c: {  	s7 =	sld [smem:$0x3FB1]  }
0x2d: {  	s3 =	simm.s32 $0x108;
	s8 =	sld [smem:$0x3FB2]  }
0x2e: {  	s3 =	simm.s32 @!p0 $0x1082;
	s9 =	sld [smem:$0x3FB3]  }
0x2f: {  	lr =	sadd.s32 s0, s3;
	s0 =	sld [smem:$0x3FAA]  }
0x30: {  	s3 =	sld [smem:$0x3FAD]  }
0x31: {  	[smem:$0x3FB6] =	sst s10  }
0x32: {  	s10 =	sld [smem:$0x3FB4];
	_ =	sdelay $0x3  }
0x33: {  	p0 =	seq.s32 s10, $0x1;
	s10 =	sld [smem:$0x3FB6];
	_ =	sdelay $0x3  }
0x34: {  	[smem:$0x3FB6] =	sst s10  }
0x35: {  	s10 =	sld [smem:$0x3FB5];
	_ =	sdelay $0x3  }
0x36: {  	p1 =	seq.s32 s10, $0x1;
	s10 =	sld [smem:$0x3FB6];
	_ =	sdelay $0x3  }
0x37: {  	[smem:$0x3FB6] =	sst s10  }
0x38: {  	s10 =	sld [smem:$0x3FB7]  }
0x39: {  	_ = 	snop;
	(pc) =	sbr.ind lr, $3  }
0x3a: {  	_ = 	snop  }
0x3b: {  	_ = 	snop  }
0x3c: {  	p2 =	seq.s32 s10, $0x1;
	s10 =	sld [smem:$0x3FB6]  }
0x3d: {  	_ =	shalt  }
0x3e: {  	_ =	shalt  }
0x3f: {  	_ =	shalt  }
0x40: {  	_ =	shalt  }
0x41: {  	_ =	shalt  }
0x42: {  	_ =	shalt  }
0x43: {  	_ =	shalt  }
0x44: {  	_ =	shalt  }
0x45: {  	_ =	shalt  }
0x46: {  	_ =	shalt  }
0x47: {  	_ =	shalt  }
0x48: {  	_ =	shalt  }
0x49: {  	_ =	shalt  }
0x4a: {  	_ =	shalt  }
0x4b: {  	_ =	shalt  }
0x4c: {  	_ =	shalt  }
0x4d: {  	_ =	shalt  }
0x4e: {  	_ =	shalt  }
0x4f: {  	_ =	shalt  }
0x50: {  	_ =	shalt  }
0x51: {  	_ =	shalt  }
0x52: {  	_ =	shalt  }
0x53: {  	_ =	shalt  }
0x54: {  	_ =	shalt  }
0x55: {  	_ =	shalt  }
0x56: {  	_ =	shalt  }
0x57: {  	_ =	shalt  }
0x58: {  	_ =	shalt  }
0x59: {  	_ =	shalt  }
0x5a: {  	_ =	shalt  }
0x5b: {  	_ =	shalt  }
0x5c: {  	_ =	shalt  }
0x5d: {  	_ =	shalt  }
0x5e: {  	_ =	shalt  }
0x5f: {  	_ =	shalt  }
0x60: {  	_ =	shalt  }
0x61: {  	_ =	shalt  }
0x62: {  	_ =	shalt  }
0x63: {  	_ =	shalt  }
0x64: {  	_ =	shalt  }
0x65: {  	_ =	shalt  }
0x66: {  	_ =	shalt  }
0x67: {  	_ =	shalt  }
0x68: {  	_ =	shalt  }
0x69: {  	_ =	shalt  }
0x6a: {  	_ =	shalt  }
0x6b: {  	_ =	shalt  }
0x6c: {  	_ =	shalt  }
0x6d: {  	_ =	shalt  }
0x6e: {  	_ =	shalt  }
0x6f: {  	_ =	shalt  }
0x70: {  	_ =	shalt  }
0x71: {  	_ =	shalt  }
0x72: {  	_ =	shalt  }
0x73: {  	_ =	shalt  }
0x74: {  	_ =	shalt  }
0x75: {  	_ =	shalt  }
0x76: {  	_ =	shalt  }
0x77: {  	_ =	shalt  }
0x78: {  	_ =	shalt  }
0x79: {  	_ =	shalt  }
0x7a: {  	_ =	shalt  }
0x7b: {  	_ =	shalt  }
0x7c: {  	_ =	shalt  }
0x7d: {  	_ =	shalt  }
0x7e: {  	_ =	shalt  }
0x7f: {  	_ =	shalt  }
0x80: {  	_ =	shalt  }
0x81: {  	_ =	shalt  }
0x82: {  	_ =	shalt  }
0x83: {  	_ =	shalt  }
0x84: {  	_ =	shalt  }
0x85: {  	_ =	shalt  }
0x86: {  	_ =	shalt  }
0x87: {  	_ =	shalt  }
.Lfunc_end0:
.L_simem_size_0:
called_computation_lowered:
.L_overlay_start_0:
0x88: {  	s2 =	sld [smem:$0x3FD9]  }
0x89: {  	s3 =	sld [smem:$0x3FFE];
	_ =	sdelay $0x1  }
0x8a: {  	s1 =	srdreg.scid  }
0x8b: {  	s0 =	sand.u32 $0x1, s1  }
0x8c: {  	s17 =	sshll.u32 s0, $0xA;
	s2 =	sadd.s32 s3, s2  }
0x8d: {  	s2 =	sadd.s32 s2, s17  }
0x8e: {  	[smem:$0x3FC2] =	sst s2  }
0x8f: {  	_ = 	snop  }
0x90: {  	s2 =	sld [smem:$0x3FD0];
	(tm) =	ssettm $0x1  }
0x91: {  	s18 =	sld [smem:$0x3FFB];
	_ =	sdelay $0x3  }
0x92: {  	_ =	strace s18  }
0x93: {  	s3 =	sld [smem:$0x3FFC];
	_ =	sdelay $0x3  }
0x94: {  	_ =	strace s3  }
0x95: {  	s3 =	sld [smem:$0x3FFD];
	_ =	sdelay $0x3  }
0x96: {  	_ =	strace s3  }
0x97: {  	_ =	strace $0x8FFFFFFF  }
0x98: {  	s19 =	sld [smem:$0x3FDB];
	_ =	sdelay $0x1  }
0x99: {  	s4 =	simm.s32 $_scs_section_size  }
0x9a: {  	s5 =	simm.s32 $_size__tile_overlayer_lowered;
	s6 =	simm.s32 $_tile_overlayer_lowered  }
0x9b: {  	s22 =	simm.s32 $0x1BFF;
	s21 =	sshll.u32 s6, $0x1;
	s3 =	sadd.s32 s4, s19  }
0x9c: {  	s7 =	simm.s32 $0x0;
	s20 =	sshll.u32 s5, $0x1;
	s5 =	sadd.s32 s21, s3  }
0x9d: {  	[timem:s7], [sflag:s22] =	dma.local [hbm:s5], s20  }
0x9e: {  	_ =	swait.ge [sflag:s22], s20  }
0x9f: {  	s4 =	ssub.s32 $0x0, s20;
	[sflag:s22] =	ssyncset.done $0x0  }
0xa0: {  	[sflag:s22] =	ssyncadd.s32 s4;
	_ =	sdelay $0x1  }
0xa1: {  	s23 =	simm.s32 $0x1B8B  }
0xa2: {  	_ =	swait.ge [sflag:s23], $0x1  }
0xa3: {  	[sflag:s23] =	ssyncset.done $0x0  }
0xa4: {  	s25 =	simm.s32 $0x1B8E;
	s24 =	sld [smem:$0x3FFE];
	[sflag:s23] =	ssyncadd.s32 $0xFFFFFFFF  }
0xa5: {  	s26 =	simm.s32 $execute0_lowered;
	[smem:$0x3FD2] =	sst s25  }
0xa6: {  	s5 =	sshll.u32 s26, $0x1;
	_ =	strace $0x80000046;
	[dreg:$0x1] =	wrdreg $0xFFFFFFFF  }
0xa7: {  	s28 =	simm.s32 $_size_execute0_lowered;
	s3 =	sadd.s32 s3, s5;
	[dreg:$0x0] =	wrdreg $0x0  }
0xa8: {  	s5 =	sshll.u32 s28, $0x1;
	[dreg:$0x2] =	wrdreg s3  }
0xa9: {  	[dreg:$0x3] =	wrdreg s5  }
0xaa: {  	[dreg:$0x4] =	wrdreg $0xC0  }
0xab: {  	_ =	task [dreg:s7], $0x5FFFF  }
0xac: {  	[dreg:$0x1] =	wrdreg $0xFFFFFFFF  }
0xad: {  	[dreg:$0x0] =	wrdreg $0x60  }
0xae: {  	[dreg:$0x2] =	wrdreg s24  }
0xaf: {  	[dreg:$0x3] =	wrdreg s2  }
0xb0: {  	[dreg:$0x4] =	wrdreg $0x9  }
0xb1: {  	_ =	task.clear_ibuf [dreg:s7], $0x5FFFF;
	_ =	strace $0x90000046  }
0xb2: {  	s29 =	simm.s32 $0x9;
	_ =	strace $0x80000048  }
0xb3: {  	_ =	swait.ge [sflag:s29], $0x1  }
0xb4: {  	[sflag:s29] =	ssyncadd.s32 $0xFFFFFFFF  }
0xb5: {  	_ =	strace $0x90000048  }
0xb6: {  	_ =	sfence  }
0xb7: {  	s30 =	sld [smem:$0x0];
	_ =	sdelay $0x2  }
0xb8: {  	s31 =	sshll.u32 s1, $0xD;
	s1 =	sshrl.u32 s1, $0x2  }
0xb9: {  	s3 =	sand.u32 $0x4000, s31;
	s1 =	sadd.s32 s1, s30  }
0xba: {  	s0 =	sor.u32 s3, s0;
	s1 =	sshll.u32 s1, $0x11  }
0xbb: {  	s0 =	sor.u32 s1, s0  }
0xbc: {  	s0 =	sadd.s32 $0x8F2B, s0  }
0xbd: {  	[sflag:s0] =	ssyncadd.remote.s32 $0x1  }
0xbe: {  	_ =	sfence.sel $0xFFFF  }
0xbf: {  	[dreg:$0x0] =	wrdreg $0xFFFFFFFF;
	(pc) =	sbr.abs _section_cstart, $3  }
0xc0: {  	[dreg:$0x1] =	wrdreg $0xFFFFFFFF  }
0xc1: {  	_ =	task.clear_ibuf [dreg:s7], $0x2FFFF;
	_ =	strace $0x9FFFFFFF  }
0xc2: {  	(tm) =	ssettm $0x7FFFFFFF  }
0xc3: {  	_ =	shalt  }
tec
execute0_lowered:
.L_overlay_start_1:
0x0: {  	(tag) =	ssettag $0x1  }
0x1: {  	s0 =	srdreg.scid  }
0x2: {  	s3 =	rddreg [dreg:$0x0];
	s4 =	sand.u32 $0x1, s0  }
0x3: {  	s5 =	rddreg [dreg:$0x1];
	s1 =	stileid.u32;
	s2 =	sshll.u32 s4, $0x4  }
0x4: {  	s0 =	rddreg [dreg:$0x2];
	s6 =	sor.u32 s1, s2  }
0x5: {  	s4 =	ssub.s32 $0x2, s4;
	s2 =	simm.s32 $0x0;
	s7 =	smul.u32 $0x4E2, s6  }
0x6: {  	s8 =	sshrl.u32 s4, $0x1;
	[smem:$0x7FF] =	sst s2;
	s6 =	smul.u32 $0x4F0, s6  }
0x7: {  	s31 =	ssub.s32 s4, s8;
	s8 =	simm.s32 $0x0;
	_ =	strace $0x80000047  }
0x8: {  	s3 =	sadd.s32 s7, s3;
	s4 =	sadd.s32 s5, s6;
	s5 =	smax.u32 s31, $0x1  }
0x9: {  	v0 =	vimm.f32 $0.0e+00;
	v1 =	vimm.f32 $1.000000000e+00;
	s6 =	simm.s32 $0x1;
	s7 =	simm.s32 $0x2780;
	s3 =	sadd.s32 $0x1A00, s3  }
.LBB2_1:
0xa: {  	s9 =	simm.s32 $0x40;
	s10 =	simm.s32 $0x0  }
.LBB2_2:
0xb: {  	p0 =	sne.s32 s9, $0x9DC0;
	[tilespmem:s10+$0x2780] =	vst v0;
	s10 =	smov.u32 s9;
	s9 =	sadd.s32 $0x40, s9  }
.Ltmp0:
0xc: {  	(pc) =	sbr.rel @p0 .LBB2_2-.Ltmp0, $2  }
0xd: {  	_ =	sdelay $0x2  }
0xe: {  	s10 =	sshra.s32 s10, $0x2  }
0xf: {  	[tilespmem:s10+$0x2780] =	vst v0;
	s9 =	simm.s32 $0x0  }
0x10: {  	[tilespmem:s9], [sflag:$0x1] =	stream.linear.gather [hbm4b:s3+s9], $0x2710, $0x38;
	[tilespmem:$0x4F00] =	vst v63  }
0x11: {  	_ =	swait.ge [sflag:s6], $0x2710  }
0x12: {  	[sflag:s6] =	ssyncset.done $0x0  }
0x13: {  	s10 =	simm.s32 $0x0;
	s9 =	simm.s32 $0x40;
	[sflag:s6] =	ssyncadd.s32 $0xFFFFD8F0  }
.LBB2_4:
0x14: {  	p0 =	sne.s32 s9, $0x9C00;
	v2 =	vld [tilespmem:s10+$0x0];
	_ =	sdelay $0x3  }
.Ltmp1:
0x15: {  	(pc) =	sbr.rel @p0 .LBB2_4-.Ltmp1, $2  }
0x16: {  	_ =	sdelay $0x2  }
0x17: {  	s10 =	sshra.s32 s9, $0x2;
	s9 =	sadd.s32 $0x40, s9;
	[tilespmem:v2+s7+$0x0] =	vst.idx.add.f32.msk $0xffff, v1  }
0x18: {  	v2 =	vld [tilespmem:s10+$0x0];
	_ =	sdelay $0x5  }
0x19: {  	s8 =	sadd.s32 $0x1, s8  }
0x1a: {  	p0 =	sne.s32 s8, s5  }
.Ltmp2:
0x1b: {  	[tilespmem:v2+s7+$0x0] =	vst.idx.add.f32.msk $0xffff, v1;
	(pc) =	sbr.rel @p0 .LBB2_1-.Ltmp2, $4  }
0x1c: {  	[hbm4b:s4+s2] =	stream.linear.scatter [tilespmem:s7], [sflag:$0x1], $0x2780, $0x38;
	[tilespmem:$0x4F00] =	vst v63  }
0x1d: {  	_ =	swait.ge [sflag:s6], $0x2780  }
0x1e: {  	[sflag:s6] =	ssyncset.done $0x0  }
0x1f: {  	[sflag:s6] =	ssyncadd.s32 $0xFFFFD880  }
0x20: {  	_ =	sfence.sel $0x180000  }
0x21: {  	[bflag:$0x0] =	sbarrier.arrive $0xFFFF  }
0x22: {  	p0 =	sne.s32 s1, $0x0;
	_ =	strace $0x90000047  }
0x23: {  	s0 =	sadd.s32 @!p0 $0x100000, s0;
	[bflag:$0x2] =	sbarrier.arrive $0xFFFF  }
0x24: {  	[sflag:s0] =	ssyncadd.tile.s32 @!p0 $0x1;
	_ =	shalt  }
.Lfunc_end2:
_tile_overlayer_lowered:
.L_overlay_start_2:
0x25: {  	(tag) =	ssettag $0x2  }
0x26: {  	s0 =	rddreg [dreg:$0x0];
	s2 =	stileid.u32  }
0x27: {  	s1 =	rddreg [dreg:$0x1];
	p0 =	sne.s32 s2, $0x0  }
0x28: {  	s3 =	rddreg [dreg:$0x2];
	[bflag:$0x3] =	sbarrier.arrive $0xFFFF;
	s2 =	simm.s32 @!p0 $0x1C01  }
0x29: {  	[timem:s3], [sflag:s2] =	dma.local @!p0 [hbm:s0], s1  }
0x2a: {  	s0 =	simm.s32 @!p0 $0x1  }
0x2b: {  	_ =	swait.ge @!p0 [sflag:s0], s1  }
0x2c: {  	s1 =	ssub.s32 @!p0 $0x0, s1;
	[sflag:s0] =	ssyncset.done @!p0 $0x0  }
0x2d: {  	[sflag:s0] =	ssyncadd.s32 @!p0 s1  }
0x2e: {  	[bflag:$0x3] =	sbarrier.arrive $0xFFFF  }
0x2f: {  	_ =	shalt  }

</sc_bundles>
